<compile_context>
chip_gen: v7x
topology: tpu7x:2x2x1
jax: 0.10.2.dev20260603
libtpu: 0.0.44.dev20260713+nightly
codegen_flags: <defaults>
</compile_context>

<pallas_src>
import functools

import jax
import jax.numpy as jnp
from jax import lax
from jax.experimental import pallas as pl
from jax.experimental.pallas import tpu as pltpu
from jax.experimental.pallas import tpu_sc as plsc

N = 10000
E = 320000
D = 128
NC = 2
NS = 16
NW = NC * NS
CH = 128
NCHK = E // CH
KB = NCHK // NW
XW = NCHK - KB * NW
NP = 10240
RPT = NP // NS
DEGW = D

_MESH = plsc.VectorSubcoreMesh(core_axis_name="c", subcore_axis_name="s")
_HIGH = jax.lax.Precision.HIGHEST



@functools.partial(
    pl.kernel,
    out_type=jax.ShapeDtypeStruct((NC, NP, D), jnp.float32),
    mesh=_MESH,
    scratch_types=[
        pltpu.VMEM_SHARED((NP, D), jnp.float32),
        pltpu.VMEM((CH,), jnp.int32),
        pltpu.VMEM((CH,), jnp.int32),
        pltpu.VMEM((CH, D), jnp.float32),
        pltpu.SemaphoreType.DMA,
        pltpu.SemaphoreType.DMA,
        pltpu.SemaphoreType.DMA,
        pltpu.SemaphoreType.DMA,
    ],
)
def _sc_degree(dst_hbm, ones_hbm, zeros_hbm, degp_hbm,
               acc_sh, id0, id1, ones_v, d0, d1, s0, s1):
    cid = lax.axis_index("c")
    sid = lax.axis_index("s")
    w = cid * NS + sid
    cs = w * KB + jnp.minimum(w, XW)
    idxd = (id0, id1)
    dsem = (d0, d1)
    ssem = (s0, s1)
    pltpu.async_copy(zeros_hbm, acc_sh.at[pl.ds(sid * RPT, RPT)], d0)
    pltpu.async_copy(ones_hbm, ones_v, d1)
    pltpu.make_async_copy(zeros_hbm, acc_sh.at[pl.ds(sid * RPT, RPT)],
                          d0).wait()
    pltpu.make_async_copy(ones_hbm, ones_v, d1).wait()
    plsc.subcore_barrier()

    def prefetch(c, b):
        pltpu.async_copy(dst_hbm.at[pl.ds((cs + c) * CH, CH)], idxd[b],
                         dsem[b])

    def wait_load(b):
        pltpu.make_async_copy(dst_hbm.at[pl.ds(0, CH)], idxd[b],
                              dsem[b]).wait()

    def wait_scatter(b):
        pltpu.make_async_copy(ones_v, acc_sh.at[idxd[b]], ssem[b]).wait()

    prefetch(0, 0)

    def group(g, carry):
        for j in (0, 1):
            c = 2 * g + j
            b, o = j, 1 - j
            if j == 0:
                @pl.when(g > 0)
                def _():
                    wait_scatter(o)
                prefetch(c + 1, o)
            else:
                @pl.when(g < KB // 2 - 1)
                def _():
                    wait_scatter(o)
                    prefetch(c + 1, o)

            wait_load(b)
            pltpu.async_copy(ones_v, acc_sh.at[idxd[b]], ssem[b], add=True)
        return carry

    lax.fori_loop(0, KB // 2, group, 0)
    for b in (0, 1):
        wait_scatter(b)

    @pl.when(w < XW)
    def _():
        prefetch(KB, 0)
        wait_load(0)
        pltpu.sync_copy(ones_v, acc_sh.at[id0], add=True)

    plsc.subcore_barrier()
    pltpu.sync_copy(acc_sh.at[pl.ds(sid * RPT, RPT)],
                    degp_hbm.at[cid, pl.ds(sid * RPT, RPT)])


@functools.partial(
    pl.kernel,
    out_type=jax.ShapeDtypeStruct((NC, NP, D), jnp.float32),
    mesh=_MESH,
    scratch_types=[
        pltpu.VMEM_SHARED((NP, D), jnp.float32),
        pltpu.VMEM(((KB + 1) * CH,), jnp.int32),
        pltpu.VMEM((CH,), jnp.int32),
        pltpu.VMEM((CH,), jnp.int32),
        pltpu.VMEM((CH, D), jnp.float32),
        pltpu.VMEM((CH, D), jnp.float32),
        pltpu.SemaphoreType.DMA,
        pltpu.SemaphoreType.DMA,
        pltpu.SemaphoreType.DMA,
        pltpu.SemaphoreType.DMA,
    ],
)
def _sc_segsum(y_hbm, src_hbm, dst_hbm, zeros_hbm, part_hbm,
               acc_sh, stag_s, id0, id1, rows0, rows1, g0, g1, s0, s1):
    cid = lax.axis_index("c")
    sid = lax.axis_index("s")
    w = cid * NS + sid
    cs = w * KB + jnp.minimum(w, XW)
    rows = (rows0, rows1)
    idxd = (id0, id1)
    gsem = (g0, g1)
    ssem = (s0, s1)
    pltpu.async_copy(zeros_hbm, acc_sh.at[pl.ds(sid * RPT, RPT)], g0)
    pltpu.async_copy(src_hbm.at[pl.ds(cs * CH, KB * CH)],
                     stag_s.at[pl.ds(0, KB * CH)], g1)

    @pl.when(w < XW)
    def _():
        pltpu.sync_copy(src_hbm.at[pl.ds((cs + KB) * CH, CH)],
                        stag_s.at[pl.ds(KB * CH, CH)])

    pltpu.make_async_copy(zeros_hbm, acc_sh.at[pl.ds(sid * RPT, RPT)],
                          g0).wait()
    pltpu.make_async_copy(src_hbm.at[pl.ds(cs * CH, KB * CH)],
                          stag_s.at[pl.ds(0, KB * CH)], g1).wait()
    plsc.subcore_barrier()

    def prefetch(c, b):
        pltpu.async_copy(dst_hbm.at[pl.ds((cs + c) * CH, CH)], idxd[b],
                         gsem[b])
        pltpu.async_copy(y_hbm.at[stag_s.at[pl.ds(c * CH, CH)]], rows[b],
                         gsem[b])

    def wait_slot(b):
        pltpu.make_async_copy(dst_hbm.at[pl.ds(0, CH)], idxd[b],
                              gsem[b]).wait()
        pltpu.make_async_copy(y_hbm.at[stag_s.at[pl.ds(0, CH)]], rows[b],
                              gsem[b]).wait()

    def wait_scatter(b):
        pltpu.make_async_copy(rows[b], acc_sh.at[idxd[b]], ssem[b]).wait()

    prefetch(0, 0)

    def group(g, carry):
        for j in (0, 1):
            c = 2 * g + j
            b, o = j, 1 - j
            if j == 0:
                @pl.when(g > 0)
                def _():
                    wait_scatter(o)
                prefetch(c + 1, o)
            else:
                @pl.when(g < KB // 2 - 1)
                def _():
                    wait_scatter(o)
                    prefetch(c + 1, o)

            wait_slot(b)
            pltpu.async_copy(rows[b], acc_sh.at[idxd[b]], ssem[b], add=True)
        return carry

    lax.fori_loop(0, KB // 2, group, 0)
    for b in (0, 1):
        wait_scatter(b)

    @pl.when(w < XW)
    def _():
        prefetch(KB, 0)
        wait_slot(0)
        pltpu.sync_copy(rows0, acc_sh.at[id0], add=True)

    plsc.subcore_barrier()
    pltpu.sync_copy(acc_sh.at[pl.ds(sid * RPT, RPT)],
                    part_hbm.at[cid, pl.ds(sid * RPT, RPT)])



_BLK = 2000
_GRID = N // _BLK


def _dis_of(d0, d1):
    deg = d0[0, :, 0:1] + d1[0, :, 0:1] + 1.0
    return lax.rsqrt(deg)


def _tc_scale_body(d0, d1, x_ref, y_ref):
    y_ref[...] = _dis_of(d0, d1) * x_ref[...]


def _gate_of(top_ref, g_ref):
    logits = lax.dot_general(top_ref[...], g_ref[...], (((1,), (1,)), ((), ())),
                             precision=_HIGH) * (1.0 / 101.0)
    m = jnp.max(logits, axis=-1, keepdims=True)
    e = jnp.exp(logits - m)
    return e / jnp.sum(e, axis=-1, keepdims=True)


def _moe_of(agg, gate, wc_ref, bc_ref):
    eo = lax.dot_general(agg, wc_ref[...], (((1,), (0,)), ((), ())),
                         precision=_HIGH) + bc_ref[...][None, :]
    eo = jnp.maximum(eo, 0.0)
    out = gate[:, 0][:, None] * eo[:, 0:D]
    out = out + gate[:, 1][:, None] * eo[:, D:2 * D]
    out = out + gate[:, 2][:, None] * eo[:, 2 * D:3 * D]
    return out


def _tc_layer_body(s0, s1, d0, d1, x_ref, top_ref, w_ref, b_ref, g_ref,
                   h_ref, y2_ref):
    dis = _dis_of(d0, d1)
    agg = dis * (s0[0] + s1[0]) + (dis * dis) * x_ref[...]
    gate = _gate_of(top_ref, g_ref)
    h = _moe_of(agg, gate, w_ref, b_ref)
    h_ref[...] = h
    y2_ref[...] = dis * h


def _tc_final_body(s0, s1, d0, d1, h1_ref, top_ref, w_ref, b_ref, g_ref,
                   fcw_ref, fcb_ref, out_ref):
    dis = _dis_of(d0, d1)
    agg = dis * (s0[0] + s1[0]) + (dis * dis) * h1_ref[...]
    gate = _gate_of(top_ref, g_ref)
    h2 = _moe_of(agg, gate, w_ref, b_ref)
    out_ref[...] = lax.dot_general(h2, fcw_ref[...], (((1,), (1,)), ((), ())),
                                   precision=_HIGH) + fcb_ref[...][None, :]


def _half_specs(width):
    return [
        pl.BlockSpec((1, _BLK, width), lambda i: (0, i, 0)),
        pl.BlockSpec((1, _BLK, width), lambda i: (1, i, 0)),
    ]


def _full(shape):
    nd = len(shape)
    return pl.BlockSpec(shape, lambda i, _nd=nd: (0,) * _nd)


_tc_scale = pl.pallas_call(
    _tc_scale_body,
    grid=(_GRID,),
    in_specs=_half_specs(DEGW) + [pl.BlockSpec((_BLK, D), lambda i: (i, 0))],
    out_specs=pl.BlockSpec((_BLK, D), lambda i: (i, 0)),
    out_shape=jax.ShapeDtypeStruct((N, D), jnp.float32),
)

_tc_layer = pl.pallas_call(
    _tc_layer_body,
    grid=(_GRID,),
    in_specs=(
        _half_specs(D) + _half_specs(DEGW)
        + [pl.BlockSpec((_BLK, D), lambda i: (i, 0)),
           pl.BlockSpec((_BLK, 4), lambda i: (i, 0)),
           _full((D, 3 * D)), _full((3 * D,)), _full((3, 4))]
    ),
    out_specs=[pl.BlockSpec((_BLK, D), lambda i: (i, 0))] * 2,
    out_shape=[jax.ShapeDtypeStruct((N, D), jnp.float32)] * 2,
)

_tc_final = pl.pallas_call(
    _tc_final_body,
    grid=(_GRID,),
    in_specs=(
        _half_specs(D) + _half_specs(DEGW)
        + [pl.BlockSpec((_BLK, D), lambda i: (i, 0)),
           pl.BlockSpec((_BLK, 4), lambda i: (i, 0)),
           _full((D, 3 * D)), _full((3 * D,)), _full((3, 4)),
           _full((D, D)), _full((D,))]
    ),
    out_specs=pl.BlockSpec((_BLK, D), lambda i: (i, 0)),
    out_shape=jax.ShapeDtypeStruct((N, D), jnp.float32),
)



def kernel(x, edge_index, top_features, W1, b1, W2, b2, G1, G2, fcW, fcb):
    src = edge_index[0]
    dst = edge_index[1]
    ones_rows = jnp.ones((CH, D), jnp.float32)
    zeros_rows = jnp.zeros((RPT, D), jnp.float32)

    wc1 = jnp.transpose(W1, (2, 0, 1)).reshape(D, 3 * D)
    wc2 = jnp.transpose(W2, (2, 0, 1)).reshape(D, 3 * D)
    bc1 = b1.reshape(3 * D)
    bc2 = b2.reshape(3 * D)

    degp = _sc_degree(dst, ones_rows, zeros_rows)
    y1 = _tc_scale(degp, degp, x)
    s1p = _sc_segsum(y1, src, dst, zeros_rows)
    h1, y2 = _tc_layer(s1p, s1p, degp, degp, x, top_features, wc1, bc1, G1)
    s2p = _sc_segsum(y2, src, dst, zeros_rows)
    return _tc_final(s2p, s2p, degp, degp, h1, top_features,
                     wc2, bc2, G2, fcW, fcb)

# --- scband reference (transcript-rebuilt; emitter-appended) ---
"""Pipeline reference for scband-camo-e-gnn-7086696038966 (READ-ONLY COPY).

The authoritative reference and input builder live on the scoring server;
editing this copy changes nothing except your own understanding.
"""

import jax, jax.numpy as jnp
import numpy as np

N = 10000
E = 320000
D = 128
TOP = 4
EXPERTS = 3
TEMP = 101.0  # batch counter = 0 on first call: 100 - 0/(200*0.01) + 1.0


def setup_inputs(seed: int = 0) -> dict:
    key = jax.random.key(seed)
    ks = jax.random.split(key, 12)
    scale = 0.05
    x = jax.random.normal(ks[0], (N, D), dtype=jnp.float32)
    edge_index = jax.random.randint(ks[1], (2, E), 0, N, dtype=jnp.int32)
    top_features = jax.random.normal(ks[2], (N, TOP), dtype=jnp.float32)
    W1 = jax.random.normal(ks[3], (EXPERTS, D, D), dtype=jnp.float32) * scale
    b1 = jnp.zeros((EXPERTS, D), dtype=jnp.float32)
    W2 = jax.random.normal(ks[4], (EXPERTS, D, D), dtype=jnp.float32) * scale
    b2 = jnp.zeros((EXPERTS, D), dtype=jnp.float32)
    G1 = jax.random.normal(ks[5], (EXPERTS, TOP), dtype=jnp.float32) * scale
    G2 = jax.random.normal(ks[6], (EXPERTS, TOP), dtype=jnp.float32) * scale
    fcW = jax.random.normal(ks[7], (D, D), dtype=jnp.float32) * scale
    fcb = jnp.zeros((D,), dtype=jnp.float32)
    return {"x": x, "edge_index": edge_index, "top_features": top_features,
            "W1": W1, "b1": b1, "W2": W2, "b2": b2, "G1": G1, "G2": G2,
            "fcW": fcW, "fcb": fcb}


def gcn_conv(x, edge_index, W, b):
    # Faithful GCNConv: add self-loops, symmetric normalization, linear transform,
    # message = norm * h[src], scatter-add to dst, add bias.
    n = x.shape[0]
    loop = jnp.arange(n, dtype=edge_index.dtype)
    src = jnp.concatenate([edge_index[0], loop])
    dst = jnp.concatenate([edge_index[1], loop])
    deg = jnp.zeros((n,), dtype=x.dtype).at[dst].add(1.0)
    dis = jnp.where(deg > 0, deg ** -0.5, 0.0)
    norm = dis[src] * dis[dst]
    h = x @ W.T
    msg = h[src] * norm[:, None]
    out = jnp.zeros_like(h).at[dst].add(msg)
    return out + b


def camoe_layer(x, edge_index, gate_features, Ws, bs, G, temp):
    gate = jax.nn.softmax((gate_features @ G.T) / temp, axis=-1)
    out = jnp.zeros((x.shape[0], Ws.shape[1]), dtype=x.dtype)
    for i in range(Ws.shape[0]):
        eo = jax.nn.relu(gcn_conv(x, edge_index, Ws[i], bs[i]))
        out = out + gate[:, i][:, None] * eo
    return out


def reference(x, edge_index, top_features, W1, b1, W2, b2, G1, G2, fcW, fcb):
    # eval mode: dropout is identity; node_classification=True so no pooling.
    h = camoe_layer(x, edge_index, top_features, W1, b1, G1, TEMP)
    h = camoe_layer(h, edge_index, top_features, W2, b2, G2, TEMP)
    return h @ fcW.T + fcb

if __name__ == "__main__":
    import jax
    _d = setup_inputs()
    print(jax.jit(kernel)(*tuple(_d.values())))

</pallas_src>

<mosaic_0001>
#map = affine_map<(d0, d1) -> (0)>
#map1 = affine_map<(d0, d1) -> (0, 0)>
#map2 = affine_map<(d0, d1) -> (0, 0, 0)>
module attributes {stable_mosaic.version = 14 : i64} {
  func.func @_sc_degree(%arg0: i32, %arg1: i32, %arg2: memref<320000xi32, #tpu.memory_space<hbm>>, %arg3: memref<128x128xf32, #tpu.memory_space<hbm>>, %arg4: memref<640x128xf32, #tpu.memory_space<hbm>>, %arg5: memref<2x10240x128xf32, #tpu.memory_space<hbm>>, %arg6: memref<10240x128xf32, #tpu.memory_space<vmem_shared>>, %arg7: memref<128xi32, #tpu.memory_space<vmem>>, %arg8: memref<128xi32, #tpu.memory_space<vmem>>, %arg9: memref<128x128xf32, #tpu.memory_space<vmem>>, %arg10: memref<!tpu.dma_semaphore, #tpu.memory_space<semaphore_mem>>, %arg11: memref<!tpu.dma_semaphore, #tpu.memory_space<semaphore_mem>>, %arg12: memref<!tpu.dma_semaphore, #tpu.memory_space<semaphore_mem>>, %arg13: memref<!tpu.dma_semaphore, #tpu.memory_space<semaphore_mem>>) attributes {dimension_semantics = [#tpu.dimension_semantics<core_parallel>, #tpu.dimension_semantics<subcore_parallel>], iteration_bounds = array<i64: 2, 16>, scalar_prefetch = 0 : i64, scratch_operands = 8 : i64, tpu.core_type = #tpu.core_type<sc_vector_subcore>, window_params = [{transform_indices = #map}, {transform_indices = #map1}, {transform_indices = #map1}, {transform_indices = #map2}]} {
    %mul3A = arith.constant 16 : i32
    %mul3A_0 = arith.muli %arg0, %mul3A : i32
    %add3A = arith.addi %mul3A_0, %arg1 : i32
    %mul3A_1 = arith.constant 78 : i32
    %mul3A_2 = arith.muli %add3A, %mul3A_1 : i32
    %min3A = arith.constant 4 : i32
    %min3A_3 = arith.minsi %add3A, %min3A : i32
    %add3A_4 = arith.addi %mul3A_2, %min3A_3 : i32
    %mul3A_5 = arith.constant 640 : i32
    %mul3A_6 = arith.muli %arg1, %mul3A_5 : i32
    %dma_start3A = arith.constant 0 : i32
    %dma_start3A_7 = tpu.memref_slice %arg6[%mul3A_6, %dma_start3A] : memref<10240x128xf32, #tpu.memory_space<vmem_shared>> -> memref<640x128xf32, #tpu.memory_space<vmem_shared>>
    tpu.enqueue_dma source(%arg4 : memref<640x128xf32, #tpu.memory_space<hbm>>) target(%dma_start3A_7 : memref<640x128xf32, #tpu.memory_space<vmem_shared>>) target_semaphore(%arg10 : memref<!tpu.dma_semaphore, #tpu.memory_space<semaphore_mem>>)
    tpu.enqueue_dma source(%arg3 : memref<128x128xf32, #tpu.memory_space<hbm>>) target(%arg9 : memref<128x128xf32, #tpu.memory_space<vmem>>) target_semaphore(%arg11 : memref<!tpu.dma_semaphore, #tpu.memory_space<semaphore_mem>>)
    %mul3A_8 = arith.constant 640 : i32
    %mul3A_9 = arith.muli %arg1, %mul3A_8 : i32
    %dma_wait3A = arith.constant 0 : i32
    %dma_wait3A_10 = tpu.memref_slice %arg6[%mul3A_9, %dma_wait3A] : memref<10240x128xf32, #tpu.memory_space<vmem_shared>> -> memref<640x128xf32, #tpu.memory_space<vmem_shared>>
    tpu.wait_dma2 semaphore(%arg10 : memref<!tpu.dma_semaphore, #tpu.memory_space<semaphore_mem>>) src(%arg4 : memref<640x128xf32, #tpu.memory_space<hbm>>) dst(%dma_wait3A_10 : memref<640x128xf32, #tpu.memory_space<vmem_shared>>)
    tpu.wait_dma2 semaphore(%arg11 : memref<!tpu.dma_semaphore, #tpu.memory_space<semaphore_mem>>) src(%arg3 : memref<128x128xf32, #tpu.memory_space<hbm>>) dst(%arg9 : memref<128x128xf32, #tpu.memory_space<vmem>>)
    %barrier3A = arith.constant 0 : index
    tpu.barrier barrier_id(%barrier3A)
    %add3A_11 = arith.constant 0 : i32
    %add3A_12 = arith.addi %add3A_4, %add3A_11 : i32
    %mul3A_13 = arith.constant 128 : i32
    %mul3A_14 = arith.muli %add3A_12, %mul3A_13 : i32
    %dma_start3A_15 = tpu.memref_slice %arg2[%mul3A_14] : memref<320000xi32, #tpu.memory_space<hbm>> -> memref<128xi32, #tpu.memory_space<hbm>>
    %dma_start3A_16 = tpu.memref_slice %arg2[%mul3A_14] : memref<320000xi32, #tpu.memory_space<hbm>> -> memref<128xi32, #tpu.memory_space<hbm>>
    tpu.enqueue_dma source(%dma_start3A_16 : memref<128xi32, #tpu.memory_space<hbm>>) target(%arg7 : memref<128xi32, #tpu.memory_space<vmem>>) target_semaphore(%arg10 : memref<!tpu.dma_semaphore, #tpu.memory_space<semaphore_mem>>)
    %scan3A = arith.constant 0 : i32
    %scan3A_17 = arith.constant 0 : i32
    %scan3A_18 = arith.constant 39 : i32
    %scan3A_19 = arith.addi %scan3A_17, %scan3A_18 : i32
    %scan3A_20 = arith.constant 1 : i32
    scf.for %scan3A_35 = %scan3A_17 to %scan3A_19 step %scan3A_20  : i32 {
      %mul3A_36 = arith.constant 2 : i32
      %mul3A_37 = arith.muli %mul3A_36, %scan3A_35 : i32
      %add3A_38 = arith.constant 0 : i32
      %add3A_39 = arith.addi %mul3A_37, %add3A_38 : i32
      %gt3A = arith.constant 0 : i32
      %gt3A_40 = arith.cmpi sgt, %scan3A_35, %gt3A : i32
      %convert_element_type3A_41 = arith.extui %gt3A_40 : i1 to i32
      %cond3A_42 = arith.constant 0 : i32
      %cond3A_43 = arith.cmpi ne, %convert_element_type3A_41, %cond3A_42 : i32
      scf.if %cond3A_43 {
        %dma_wait3A_74 = arith.constant 0 : i32
        %dma_wait3A_75 = arith.constant 0 : i32
        %dma_wait3A_76 = tpu.memref_slice %arg6[%dma_wait3A_74, %dma_wait3A_75] : memref<10240x128xf32, #tpu.memory_space<vmem_shared>> -> memref<10240x128xf32, #tpu.memory_space<vmem_shared>>
        tpu.wait_indirect_dma semaphore(%arg13 : memref<!tpu.dma_semaphore, #tpu.memory_space<semaphore_mem>>) src(%arg9 : memref<128x128xf32, #tpu.memory_space<vmem>>) dst(%dma_wait3A_76 : memref<10240x128xf32, #tpu.memory_space<vmem_shared>>)
      } else {
      }
      %add3A_44 = arith.constant 1 : i32
      %add3A_45 = arith.addi %add3A_39, %add3A_44 : i32
      %add3A_46 = arith.addi %add3A_4, %add3A_45 : i32
      %mul3A_47 = arith.constant 128 : i32
      %mul3A_48 = arith.muli %add3A_46, %mul3A_47 : i32
      %dma_start3A_49 = tpu.memref_slice %arg2[%mul3A_48] : memref<320000xi32, #tpu.memory_space<hbm>> -> memref<128xi32, #tpu.memory_space<hbm>>
      %dma_start3A_50 = tpu.memref_slice %arg2[%mul3A_48] : memref<320000xi32, #tpu.memory_space<hbm>> -> memref<128xi32, #tpu.memory_space<hbm>>
      tpu.enqueue_dma source(%dma_start3A_50 : memref<128xi32, #tpu.memory_space<hbm>>) target(%arg8 : memref<128xi32, #tpu.memory_space<vmem>>) target_semaphore(%arg11 : memref<!tpu.dma_semaphore, #tpu.memory_space<semaphore_mem>>)
      %dma_wait3A_51 = arith.constant 0 : i32
      %dma_wait3A_52 = tpu.memref_slice %arg2[%dma_wait3A_51] : memref<320000xi32, #tpu.memory_space<hbm>> -> memref<128xi32, #tpu.memory_space<hbm>>
      %dma_wait3A_53 = arith.constant 0 : i32
      %dma_wait3A_54 = tpu.memref_slice %arg2[%dma_wait3A_53] : memref<320000xi32, #tpu.memory_space<hbm>> -> memref<128xi32, #tpu.memory_space<hbm>>
      tpu.wait_dma2 semaphore(%arg10 : memref<!tpu.dma_semaphore, #tpu.memory_space<semaphore_mem>>) src(%dma_wait3A_54 : memref<128xi32, #tpu.memory_space<hbm>>) dst(%arg7 : memref<128xi32, #tpu.memory_space<vmem>>)
      %dma_start3A_55 = arith.constant 0 : i32
      %dma_start3A_56 = arith.constant 0 : i32
      %dma_start3A_57 = tpu.memref_slice %arg6[%dma_start3A_55, %dma_start3A_56] : memref<10240x128xf32, #tpu.memory_space<vmem_shared>> -> memref<10240x128xf32, #tpu.memory_space<vmem_shared>>
      tpu.enqueue_indirect_dma source(%arg9 : memref<128x128xf32, #tpu.memory_space<vmem>>) target(%dma_start3A_57 : memref<10240x128xf32, #tpu.memory_space<vmem_shared>>) offsets(%arg7 : memref<128xi32, #tpu.memory_space<vmem>>) semaphore(%arg12 : memref<!tpu.dma_semaphore, #tpu.memory_space<semaphore_mem>>) {add = true}
      %mul3A_58 = arith.constant 2 : i32
      %mul3A_59 = arith.muli %mul3A_58, %scan3A_35 : i32
      %add3A_60 = arith.constant 1 : i32
      %add3A_61 = arith.addi %mul3A_59, %add3A_60 : i32
      %lt3A_62 = arith.constant 38 : i32
      %lt3A_63 = arith.cmpi slt, %scan3A_35, %lt3A_62 : i32
      %convert_element_type3A_64 = arith.extui %lt3A_63 : i1 to i32
      %cond3A_65 = arith.constant 0 : i32
      %cond3A_66 = arith.cmpi ne, %convert_element_type3A_64, %cond3A_65 : i32
      scf.if %cond3A_66 {
        %dma_wait3A_74 = arith.constant 0 : i32
        %dma_wait3A_75 = arith.constant 0 : i32
        %dma_wait3A_76 = tpu.memref_slice %arg6[%dma_wait3A_74, %dma_wait3A_75] : memref<10240x128xf32, #tpu.memory_space<vmem_shared>> -> memref<10240x128xf32, #tpu.memory_space<vmem_shared>>
        tpu.wait_indirect_dma semaphore(%arg12 : memref<!tpu.dma_semaphore, #tpu.memory_space<semaphore_mem>>) src(%arg9 : memref<128x128xf32, #tpu.memory_space<vmem>>) dst(%dma_wait3A_76 : memref<10240x128xf32, #tpu.memory_space<vmem_shared>>)
        %add3A_77 = arith.constant 1 : i32
        %add3A_78 = arith.addi %add3A_61, %add3A_77 : i32
        %add3A_79 = arith.addi %add3A_4, %add3A_78 : i32
        %mul3A_80 = arith.constant 128 : i32
        %mul3A_81 = arith.muli %add3A_79, %mul3A_80 : i32
        %dma_start3A_82 = tpu.memref_slice %arg2[%mul3A_81] : memref<320000xi32, #tpu.memory_space<hbm>> -> memref<128xi32, #tpu.memory_space<hbm>>
        %dma_start3A_83 = tpu.memref_slice %arg2[%mul3A_81] : memref<320000xi32, #tpu.memory_space<hbm>> -> memref<128xi32, #tpu.memory_space<hbm>>
        tpu.enqueue_dma source(%dma_start3A_83 : memref<128xi32, #tpu.memory_space<hbm>>) target(%arg7 : memref<128xi32, #tpu.memory_space<vmem>>) target_semaphore(%arg10 : memref<!tpu.dma_semaphore, #tpu.memory_space<semaphore_mem>>)
      } else {
      }
      %dma_wait3A_67 = arith.constant 0 : i32
      %dma_wait3A_68 = tpu.memref_slice %arg2[%dma_wait3A_67] : memref<320000xi32, #tpu.memory_space<hbm>> -> memref<128xi32, #tpu.memory_space<hbm>>
      %dma_wait3A_69 = arith.constant 0 : i32
      %dma_wait3A_70 = tpu.memref_slice %arg2[%dma_wait3A_69] : memref<320000xi32, #tpu.memory_space<hbm>> -> memref<128xi32, #tpu.memory_space<hbm>>
      tpu.wait_dma2 semaphore(%arg11 : memref<!tpu.dma_semaphore, #tpu.memory_space<semaphore_mem>>) src(%dma_wait3A_70 : memref<128xi32, #tpu.memory_space<hbm>>) dst(%arg8 : memref<128xi32, #tpu.memory_space<vmem>>)
      %dma_start3A_71 = arith.constant 0 : i32
      %dma_start3A_72 = arith.constant 0 : i32
      %dma_start3A_73 = tpu.memref_slice %arg6[%dma_start3A_71, %dma_start3A_72] : memref<10240x128xf32, #tpu.memory_space<vmem_shared>> -> memref<10240x128xf32, #tpu.memory_space<vmem_shared>>
      tpu.enqueue_indirect_dma source(%arg9 : memref<128x128xf32, #tpu.memory_space<vmem>>) target(%dma_start3A_73 : memref<10240x128xf32, #tpu.memory_space<vmem_shared>>) offsets(%arg8 : memref<128xi32, #tpu.memory_space<vmem>>) semaphore(%arg13 : memref<!tpu.dma_semaphore, #tpu.memory_space<semaphore_mem>>) {add = true}
    }
    %scan3A_21 = arith.constant 39 : i32
    %dma_wait3A_22 = arith.constant 0 : i32
    %dma_wait3A_23 = arith.constant 0 : i32
    %dma_wait3A_24 = tpu.memref_slice %arg6[%dma_wait3A_22, %dma_wait3A_23] : memref<10240x128xf32, #tpu.memory_space<vmem_shared>> -> memref<10240x128xf32, #tpu.memory_space<vmem_shared>>
    tpu.wait_indirect_dma semaphore(%arg12 : memref<!tpu.dma_semaphore, #tpu.memory_space<semaphore_mem>>) src(%arg9 : memref<128x128xf32, #tpu.memory_space<vmem>>) dst(%dma_wait3A_24 : memref<10240x128xf32, #tpu.memory_space<vmem_shared>>)
    %dma_wait3A_25 = arith.constant 0 : i32
    %dma_wait3A_26 = arith.constant 0 : i32
    %dma_wait3A_27 = tpu.memref_slice %arg6[%dma_wait3A_25, %dma_wait3A_26] : memref<10240x128xf32, #tpu.memory_space<vmem_shared>> -> memref<10240x128xf32, #tpu.memory_space<vmem_shared>>
    tpu.wait_indirect_dma semaphore(%arg13 : memref<!tpu.dma_semaphore, #tpu.memory_space<semaphore_mem>>) src(%arg9 : memref<128x128xf32, #tpu.memory_space<vmem>>) dst(%dma_wait3A_27 : memref<10240x128xf32, #tpu.memory_space<vmem_shared>>)
    %lt3A = arith.constant 4 : i32
    %lt3A_28 = arith.cmpi slt, %add3A, %lt3A : i32
    %convert_element_type3A = arith.extui %lt3A_28 : i1 to i32
    %cond3A = arith.constant 0 : i32
    %cond3A_29 = arith.cmpi ne, %convert_element_type3A, %cond3A : i32
    scf.if %cond3A_29 {
      %add3A_35 = arith.constant 78 : i32
      %add3A_36 = arith.addi %add3A_4, %add3A_35 : i32
      %mul3A_37 = arith.constant 128 : i32
      %mul3A_38 = arith.muli %add3A_36, %mul3A_37 : i32
      %dma_start3A_39 = tpu.memref_slice %arg2[%mul3A_38] : memref<320000xi32, #tpu.memory_space<hbm>> -> memref<128xi32, #tpu.memory_space<hbm>>
      %dma_start3A_40 = tpu.memref_slice %arg2[%mul3A_38] : memref<320000xi32, #tpu.memory_space<hbm>> -> memref<128xi32, #tpu.memory_space<hbm>>
      tpu.enqueue_dma source(%dma_start3A_40 : memref<128xi32, #tpu.memory_space<hbm>>) target(%arg7 : memref<128xi32, #tpu.memory_space<vmem>>) target_semaphore(%arg10 : memref<!tpu.dma_semaphore, #tpu.memory_space<semaphore_mem>>)
      %dma_wait3A_41 = arith.constant 0 : i32
      %dma_wait3A_42 = tpu.memref_slice %arg2[%dma_wait3A_41] : memref<320000xi32, #tpu.memory_space<hbm>> -> memref<128xi32, #tpu.memory_space<hbm>>
      %dma_wait3A_43 = arith.constant 0 : i32
      %dma_wait3A_44 = tpu.memref_slice %arg2[%dma_wait3A_43] : memref<320000xi32, #tpu.memory_space<hbm>> -> memref<128xi32, #tpu.memory_space<hbm>>
      tpu.wait_dma2 semaphore(%arg10 : memref<!tpu.dma_semaphore, #tpu.memory_space<semaphore_mem>>) src(%dma_wait3A_44 : memref<128xi32, #tpu.memory_space<hbm>>) dst(%arg7 : memref<128xi32, #tpu.memory_space<vmem>>)
      "tpu.region"() ({
        %run_scoped3A = tpu.sem_alloc : memref<!tpu.dma_semaphore, #tpu.memory_space<semaphore_mem>>
        %dma_start3A_45 = arith.constant 0 : i32
        %dma_start3A_46 = arith.constant 0 : i32
        %dma_start3A_47 = tpu.memref_slice %arg6[%dma_start3A_45, %dma_start3A_46] : memref<10240x128xf32, #tpu.memory_space<vmem_shared>> -> memref<10240x128xf32, #tpu.memory_space<vmem_shared>>
        tpu.enqueue_indirect_dma source(%arg9 : memref<128x128xf32, #tpu.memory_space<vmem>>) target(%dma_start3A_47 : memref<10240x128xf32, #tpu.memory_space<vmem_shared>>) offsets(%arg7 : memref<128xi32, #tpu.memory_space<vmem>>) semaphore(%run_scoped3A : memref<!tpu.dma_semaphore, #tpu.memory_space<semaphore_mem>>) {add = true}
        %dma_wait3A_48 = arith.constant 0 : i32
        %dma_wait3A_49 = arith.constant 0 : i32
        %dma_wait3A_50 = tpu.memref_slice %arg6[%dma_wait3A_48, %dma_wait3A_49] : memref<10240x128xf32, #tpu.memory_space<vmem_shared>> -> memref<10240x128xf32, #tpu.memory_space<vmem_shared>>
        tpu.wait_indirect_dma semaphore(%run_scoped3A : memref<!tpu.dma_semaphore, #tpu.memory_space<semaphore_mem>>) src(%arg9 : memref<128x128xf32, #tpu.memory_space<vmem>>) dst(%dma_wait3A_50 : memref<10240x128xf32, #tpu.memory_space<vmem_shared>>)
        tpu.yield
      }) : () -> ()
    } else {
    }
    %barrier3A_30 = arith.constant 0 : index
    tpu.barrier barrier_id(%barrier3A_30)
    %mul3A_31 = arith.constant 640 : i32
    %mul3A_32 = arith.muli %arg1, %mul3A_31 : i32
    %mul3A_33 = arith.constant 640 : i32
    %mul3A_34 = arith.muli %arg1, %mul3A_33 : i32
    "tpu.region"() ({
      %run_scoped3A = tpu.sem_alloc : memref<!tpu.dma_semaphore, #tpu.memory_space<semaphore_mem>>
      %dma_start3A_35 = arith.constant 0 : i32
      %dma_start3A_36 = tpu.memref_slice %arg5[%arg0, %mul3A_34, %dma_start3A_35] : memref<2x10240x128xf32, #tpu.memory_space<hbm>> -> memref<1x640x128xf32, #tpu.memory_space<hbm>>
      %dma_start3A_37 = tpu.memref_squeeze %dma_start3A_36 : memref<1x640x128xf32, #tpu.memory_space<hbm>> -> memref<640x128xf32, #tpu.memory_space<hbm>>
      %dma_start3A_38 = arith.constant 0 : i32
      %dma_start3A_39 = tpu.memref_slice %arg6[%mul3A_32, %dma_start3A_38] : memref<10240x128xf32, #tpu.memory_space<vmem_shared>> -> memref<640x128xf32, #tpu.memory_space<vmem_shared>>
      tpu.enqueue_dma source(%dma_start3A_39 : memref<640x128xf32, #tpu.memory_space<vmem_shared>>) target(%dma_start3A_37 : memref<640x128xf32, #tpu.memory_space<hbm>>) target_semaphore(%run_scoped3A : memref<!tpu.dma_semaphore, #tpu.memory_space<semaphore_mem>>)
      %dma_wait3A_40 = arith.constant 0 : i32
      %dma_wait3A_41 = tpu.memref_slice %arg5[%arg0, %mul3A_34, %dma_wait3A_40] : memref<2x10240x128xf32, #tpu.memory_space<hbm>> -> memref<1x640x128xf32, #tpu.memory_space<hbm>>
      %dma_wait3A_42 = tpu.memref_squeeze %dma_wait3A_41 : memref<1x640x128xf32, #tpu.memory_space<hbm>> -> memref<640x128xf32, #tpu.memory_space<hbm>>
      %dma_wait3A_43 = arith.constant 0 : i32
      %dma_wait3A_44 = tpu.memref_slice %arg6[%mul3A_32, %dma_wait3A_43] : memref<10240x128xf32, #tpu.memory_space<vmem_shared>> -> memref<640x128xf32, #tpu.memory_space<vmem_shared>>
      tpu.wait_dma2 semaphore(%run_scoped3A : memref<!tpu.dma_semaphore, #tpu.memory_space<semaphore_mem>>) src(%dma_wait3A_44 : memref<640x128xf32, #tpu.memory_space<vmem_shared>>) dst(%dma_wait3A_42 : memref<640x128xf32, #tpu.memory_space<hbm>>)
      tpu.yield
    }) : () -> ()
    return
  }
}

#map = affine_map<(d0, d1) -> (0, 0)>
#map1 = affine_map<(d0, d1) -> (0)>
#map2 = affine_map<(d0, d1) -> (0, 0, 0)>
module attributes {stable_mosaic.version = 14 : i64} {
  func.func @_sc_segsum(%arg0: i32, %arg1: i32, %arg2: memref<10000x128xf32, #tpu.memory_space<hbm>>, %arg3: memref<320000xi32, #tpu.memory_space<hbm>>, %arg4: memref<320000xi32, #tpu.memory_space<hbm>>, %arg5: memref<640x128xf32, #tpu.memory_space<hbm>>, %arg6: memref<2x10240x128xf32, #tpu.memory_space<hbm>>, %arg7: memref<10240x128xf32, #tpu.memory_space<vmem_shared>>, %arg8: memref<10112xi32, #tpu.memory_space<vmem>>, %arg9: memref<128xi32, #tpu.memory_space<vmem>>, %arg10: memref<128xi32, #tpu.memory_space<vmem>>, %arg11: memref<128x128xf32, #tpu.memory_space<vmem>>, %arg12: memref<128x128xf32, #tpu.memory_space<vmem>>, %arg13: memref<!tpu.dma_semaphore, #tpu.memory_space<semaphore_mem>>, %arg14: memref<!tpu.dma_semaphore, #tpu.memory_space<semaphore_mem>>, %arg15: memref<!tpu.dma_semaphore, #tpu.memory_space<semaphore_mem>>, %arg16: memref<!tpu.dma_semaphore, #tpu.memory_space<semaphore_mem>>) attributes {dimension_semantics = [#tpu.dimension_semantics<core_parallel>, #tpu.dimension_semantics<subcore_parallel>], iteration_bounds = array<i64: 2, 16>, scalar_prefetch = 0 : i64, scratch_operands = 10 : i64, tpu.core_type = #tpu.core_type<sc_vector_subcore>, window_params = [{transform_indices = #map}, {transform_indices = #map1}, {transform_indices = #map1}, {transform_indices = #map}, {transform_indices = #map2}]} {
    %mul3A = arith.constant 16 : i32
    %mul3A_0 = arith.muli %arg0, %mul3A : i32
    %add3A = arith.addi %mul3A_0, %arg1 : i32
    %mul3A_1 = arith.constant 78 : i32
    %mul3A_2 = arith.muli %add3A, %mul3A_1 : i32
    %min3A = arith.constant 4 : i32
    %min3A_3 = arith.minsi %add3A, %min3A : i32
    %add3A_4 = arith.addi %mul3A_2, %min3A_3 : i32
    %mul3A_5 = arith.constant 640 : i32
    %mul3A_6 = arith.muli %arg1, %mul3A_5 : i32
    %dma_start3A = arith.constant 0 : i32
    %dma_start3A_7 = tpu.memref_slice %arg7[%mul3A_6, %dma_start3A] : memref<10240x128xf32, #tpu.memory_space<vmem_shared>> -> memref<640x128xf32, #tpu.memory_space<vmem_shared>>
    tpu.enqueue_dma source(%arg5 : memref<640x128xf32, #tpu.memory_space<hbm>>) target(%dma_start3A_7 : memref<640x128xf32, #tpu.memory_space<vmem_shared>>) target_semaphore(%arg13 : memref<!tpu.dma_semaphore, #tpu.memory_space<semaphore_mem>>)
    %mul3A_8 = arith.constant 128 : i32
    %mul3A_9 = arith.muli %add3A_4, %mul3A_8 : i32
    %dma_start3A_10 = arith.constant 0 : i32
    %dma_start3A_11 = tpu.memref_slice %arg8[%dma_start3A_10] : memref<10112xi32, #tpu.memory_space<vmem>> -> memref<9984xi32, #tpu.memory_space<vmem>>
    %dma_start3A_12 = tpu.memref_slice %arg3[%mul3A_9] : memref<320000xi32, #tpu.memory_space<hbm>> -> memref<9984xi32, #tpu.memory_space<hbm>>
    %dma_start3A_13 = arith.constant 0 : i32
    %dma_start3A_14 = tpu.memref_slice %arg8[%dma_start3A_13] : memref<10112xi32, #tpu.memory_space<vmem>> -> memref<9984xi32, #tpu.memory_space<vmem>>
    %dma_start3A_15 = tpu.memref_slice %arg3[%mul3A_9] : memref<320000xi32, #tpu.memory_space<hbm>> -> memref<9984xi32, #tpu.memory_space<hbm>>
    tpu.enqueue_dma source(%dma_start3A_15 : memref<9984xi32, #tpu.memory_space<hbm>>) target(%dma_start3A_14 : memref<9984xi32, #tpu.memory_space<vmem>>) target_semaphore(%arg14 : memref<!tpu.dma_semaphore, #tpu.memory_space<semaphore_mem>>)
    %lt3A = arith.constant 4 : i32
    %lt3A_16 = arith.cmpi slt, %add3A, %lt3A : i32
    %convert_element_type3A = arith.extui %lt3A_16 : i1 to i32
    %cond3A = arith.constant 0 : i32
    %cond3A_17 = arith.cmpi ne, %convert_element_type3A, %cond3A : i32
    scf.if %cond3A_17 {
      %add3A_61 = arith.constant 78 : i32
      %add3A_62 = arith.addi %add3A_4, %add3A_61 : i32
      %mul3A_63 = arith.constant 128 : i32
      %mul3A_64 = arith.muli %add3A_62, %mul3A_63 : i32
      "tpu.region"() ({
        %run_scoped3A = tpu.sem_alloc : memref<!tpu.dma_semaphore, #tpu.memory_space<semaphore_mem>>
        %dma_start3A_65 = arith.constant 9984 : i32
        %dma_start3A_66 = tpu.memref_slice %arg8[%dma_start3A_65] : memref<10112xi32, #tpu.memory_space<vmem>> -> memref<128xi32, #tpu.memory_space<vmem>>
        %dma_start3A_67 = tpu.memref_slice %arg3[%mul3A_64] : memref<320000xi32, #tpu.memory_space<hbm>> -> memref<128xi32, #tpu.memory_space<hbm>>
        %dma_start3A_68 = arith.constant 9984 : i32
        %dma_start3A_69 = tpu.memref_slice %arg8[%dma_start3A_68] : memref<10112xi32, #tpu.memory_space<vmem>> -> memref<128xi32, #tpu.memory_space<vmem>>
        %dma_start3A_70 = tpu.memref_slice %arg3[%mul3A_64] : memref<320000xi32, #tpu.memory_space<hbm>> -> memref<128xi32, #tpu.memory_space<hbm>>
        tpu.enqueue_dma source(%dma_start3A_70 : memref<128xi32, #tpu.memory_space<hbm>>) target(%dma_start3A_69 : memref<128xi32, #tpu.memory_space<vmem>>) target_semaphore(%run_scoped3A : memref<!tpu.dma_semaphore, #tpu.memory_space<semaphore_mem>>)
        %dma_wait3A_71 = arith.constant 9984 : i32
        %dma_wait3A_72 = tpu.memref_slice %arg8[%dma_wait3A_71] : memref<10112xi32, #tpu.memory_space<vmem>> -> memref<128xi32, #tpu.memory_space<vmem>>
        %dma_wait3A_73 = tpu.memref_slice %arg3[%mul3A_64] : memref<320000xi32, #tpu.memory_space<hbm>> -> memref<128xi32, #tpu.memory_space<hbm>>
        %dma_wait3A_74 = arith.constant 9984 : i32
        %dma_wait3A_75 = tpu.memref_slice %arg8[%dma_wait3A_74] : memref<10112xi32, #tpu.memory_space<vmem>> -> memref<128xi32, #tpu.memory_space<vmem>>
        %dma_wait3A_76 = tpu.memref_slice %arg3[%mul3A_64] : memref<320000xi32, #tpu.memory_space<hbm>> -> memref<128xi32, #tpu.memory_space<hbm>>
        tpu.wait_dma2 semaphore(%run_scoped3A : memref<!tpu.dma_semaphore, #tpu.memory_space<semaphore_mem>>) src(%dma_wait3A_76 : memref<128xi32, #tpu.memory_space<hbm>>) dst(%dma_wait3A_75 : memref<128xi32, #tpu.memory_space<vmem>>)
        tpu.yield
      }) : () -> ()
    } else {
    }
    %mul3A_18 = arith.constant 640 : i32
    %mul3A_19 = arith.muli %arg1, %mul3A_18 : i32
    %dma_wait3A = arith.constant 0 : i32
    %dma_wait3A_20 = tpu.memref_slice %arg7[%mul3A_19, %dma_wait3A] : memref<10240x128xf32, #tpu.memory_space<vmem_shared>> -> memref<640x128xf32, #tpu.memory_space<vmem_shared>>
    tpu.wait_dma2 semaphore(%arg13 : memref<!tpu.dma_semaphore, #tpu.memory_space<semaphore_mem>>) src(%arg5 : memref<640x128xf32, #tpu.memory_space<hbm>>) dst(%dma_wait3A_20 : memref<640x128xf32, #tpu.memory_space<vmem_shared>>)
    %mul3A_21 = arith.constant 128 : i32
    %mul3A_22 = arith.muli %add3A_4, %mul3A_21 : i32
    %dma_wait3A_23 = arith.constant 0 : i32
    %dma_wait3A_24 = tpu.memref_slice %arg8[%dma_wait3A_23] : memref<10112xi32, #tpu.memory_space<vmem>> -> memref<9984xi32, #tpu.memory_space<vmem>>
    %dma_wait3A_25 = tpu.memref_slice %arg3[%mul3A_22] : memref<320000xi32, #tpu.memory_space<hbm>> -> memref<9984xi32, #tpu.memory_space<hbm>>
    %dma_wait3A_26 = arith.constant 0 : i32
    %dma_wait3A_27 = tpu.memref_slice %arg8[%dma_wait3A_26] : memref<10112xi32, #tpu.memory_space<vmem>> -> memref<9984xi32, #tpu.memory_space<vmem>>
    %dma_wait3A_28 = tpu.memref_slice %arg3[%mul3A_22] : memref<320000xi32, #tpu.memory_space<hbm>> -> memref<9984xi32, #tpu.memory_space<hbm>>
    tpu.wait_dma2 semaphore(%arg14 : memref<!tpu.dma_semaphore, #tpu.memory_space<semaphore_mem>>) src(%dma_wait3A_28 : memref<9984xi32, #tpu.memory_space<hbm>>) dst(%dma_wait3A_27 : memref<9984xi32, #tpu.memory_space<vmem>>)
    %barrier3A = arith.constant 0 : index
    tpu.barrier barrier_id(%barrier3A)
    %add3A_29 = arith.constant 0 : i32
    %add3A_30 = arith.addi %add3A_4, %add3A_29 : i32
    %mul3A_31 = arith.constant 128 : i32
    %mul3A_32 = arith.muli %add3A_30, %mul3A_31 : i32
    %dma_start3A_33 = tpu.memref_slice %arg4[%mul3A_32] : memref<320000xi32, #tpu.memory_space<hbm>> -> memref<128xi32, #tpu.memory_space<hbm>>
    %dma_start3A_34 = tpu.memref_slice %arg4[%mul3A_32] : memref<320000xi32, #tpu.memory_space<hbm>> -> memref<128xi32, #tpu.memory_space<hbm>>
    tpu.enqueue_dma source(%dma_start3A_34 : memref<128xi32, #tpu.memory_space<hbm>>) target(%arg9 : memref<128xi32, #tpu.memory_space<vmem>>) target_semaphore(%arg13 : memref<!tpu.dma_semaphore, #tpu.memory_space<semaphore_mem>>)
    %dma_start3A_35 = arith.constant 0 : i32
    %dma_start3A_36 = tpu.memref_slice %arg8[%dma_start3A_35] : memref<10112xi32, #tpu.memory_space<vmem>> -> memref<128xi32, #tpu.memory_space<vmem>>
    %dma_start3A_37 = arith.constant 0 : i32
    %dma_start3A_38 = arith.constant 0 : i32
    %dma_start3A_39 = tpu.memref_slice %arg2[%dma_start3A_37, %dma_start3A_38] : memref<10000x128xf32, #tpu.memory_space<hbm>> -> memref<10000x128xf32, #tpu.memory_space<hbm>>
    tpu.enqueue_indirect_dma source(%dma_start3A_39 : memref<10000x128xf32, #tpu.memory_space<hbm>>) target(%arg11 : memref<128x128xf32, #tpu.memory_space<vmem>>) offsets(%dma_start3A_36 : memref<128xi32, #tpu.memory_space<vmem>>) semaphore(%arg13 : memref<!tpu.dma_semaphore, #tpu.memory_space<semaphore_mem>>)
    %scan3A = arith.constant 0 : i32
    %scan3A_40 = arith.constant 0 : i32
    %scan3A_41 = arith.constant 39 : i32
    %scan3A_42 = arith.addi %scan3A_40, %scan3A_41 : i32
    %scan3A_43 = arith.constant 1 : i32
    scf.for %scan3A_61 = %scan3A_40 to %scan3A_42 step %scan3A_43  : i32 {
      %mul3A_62 = arith.constant 2 : i32
      %mul3A_63 = arith.muli %mul3A_62, %scan3A_61 : i32
      %add3A_64 = arith.constant 0 : i32
      %add3A_65 = arith.addi %mul3A_63, %add3A_64 : i32
      %gt3A = arith.constant 0 : i32
      %gt3A_66 = arith.cmpi sgt, %scan3A_61, %gt3A : i32
      %convert_element_type3A_67 = arith.extui %gt3A_66 : i1 to i32
      %cond3A_68 = arith.constant 0 : i32
      %cond3A_69 = arith.cmpi ne, %convert_element_type3A_67, %cond3A_68 : i32
      scf.if %cond3A_69 {
        %dma_wait3A_116 = arith.constant 0 : i32
        %dma_wait3A_117 = arith.constant 0 : i32
        %dma_wait3A_118 = tpu.memref_slice %arg7[%dma_wait3A_116, %dma_wait3A_117] : memref<10240x128xf32, #tpu.memory_space<vmem_shared>> -> memref<10240x128xf32, #tpu.memory_space<vmem_shared>>
        tpu.wait_indirect_dma semaphore(%arg16 : memref<!tpu.dma_semaphore, #tpu.memory_space<semaphore_mem>>) src(%arg12 : memref<128x128xf32, #tpu.memory_space<vmem>>) dst(%dma_wait3A_118 : memref<10240x128xf32, #tpu.memory_space<vmem_shared>>)
      } else {
      }
      %add3A_70 = arith.constant 1 : i32
      %add3A_71 = arith.addi %add3A_65, %add3A_70 : i32
      %add3A_72 = arith.addi %add3A_4, %add3A_71 : i32
      %mul3A_73 = arith.constant 128 : i32
      %mul3A_74 = arith.muli %add3A_72, %mul3A_73 : i32
      %dma_start3A_75 = tpu.memref_slice %arg4[%mul3A_74] : memref<320000xi32, #tpu.memory_space<hbm>> -> memref<128xi32, #tpu.memory_space<hbm>>
      %dma_start3A_76 = tpu.memref_slice %arg4[%mul3A_74] : memref<320000xi32, #tpu.memory_space<hbm>> -> memref<128xi32, #tpu.memory_space<hbm>>
      tpu.enqueue_dma source(%dma_start3A_76 : memref<128xi32, #tpu.memory_space<hbm>>) target(%arg10 : memref<128xi32, #tpu.memory_space<vmem>>) target_semaphore(%arg14 : memref<!tpu.dma_semaphore, #tpu.memory_space<semaphore_mem>>)
      %mul3A_77 = arith.constant 128 : i32
      %mul3A_78 = arith.muli %add3A_71, %mul3A_77 : i32
      %dma_start3A_79 = tpu.memref_slice %arg8[%mul3A_78] : memref<10112xi32, #tpu.memory_space<vmem>> -> memref<128xi32, #tpu.memory_space<vmem>>
      %dma_start3A_80 = arith.constant 0 : i32
      %dma_start3A_81 = arith.constant 0 : i32
      %dma_start3A_82 = tpu.memref_slice %arg2[%dma_start3A_80, %dma_start3A_81] : memref<10000x128xf32, #tpu.memory_space<hbm>> -> memref<10000x128xf32, #tpu.memory_space<hbm>>
      tpu.enqueue_indirect_dma source(%dma_start3A_82 : memref<10000x128xf32, #tpu.memory_space<hbm>>) target(%arg12 : memref<128x128xf32, #tpu.memory_space<vmem>>) offsets(%dma_start3A_79 : memref<128xi32, #tpu.memory_space<vmem>>) semaphore(%arg14 : memref<!tpu.dma_semaphore, #tpu.memory_space<semaphore_mem>>)
      %dma_wait3A_83 = arith.constant 0 : i32
      %dma_wait3A_84 = tpu.memref_slice %arg4[%dma_wait3A_83] : memref<320000xi32, #tpu.memory_space<hbm>> -> memref<128xi32, #tpu.memory_space<hbm>>
      %dma_wait3A_85 = arith.constant 0 : i32
      %dma_wait3A_86 = tpu.memref_slice %arg4[%dma_wait3A_85] : memref<320000xi32, #tpu.memory_space<hbm>> -> memref<128xi32, #tpu.memory_space<hbm>>
      tpu.wait_dma2 semaphore(%arg13 : memref<!tpu.dma_semaphore, #tpu.memory_space<semaphore_mem>>) src(%dma_wait3A_86 : memref<128xi32, #tpu.memory_space<hbm>>) dst(%arg9 : memref<128xi32, #tpu.memory_space<vmem>>)
      %dma_wait3A_87 = arith.constant 0 : i32
      %dma_wait3A_88 = tpu.memref_slice %arg8[%dma_wait3A_87] : memref<10112xi32, #tpu.memory_space<vmem>> -> memref<128xi32, #tpu.memory_space<vmem>>
      %dma_wait3A_89 = arith.constant 0 : i32
      %dma_wait3A_90 = arith.constant 0 : i32
      %dma_wait3A_91 = tpu.memref_slice %arg2[%dma_wait3A_89, %dma_wait3A_90] : memref<10000x128xf32, #tpu.memory_space<hbm>> -> memref<10000x128xf32, #tpu.memory_space<hbm>>
      tpu.wait_indirect_dma semaphore(%arg13 : memref<!tpu.dma_semaphore, #tpu.memory_space<semaphore_mem>>) src(%dma_wait3A_91 : memref<10000x128xf32, #tpu.memory_space<hbm>>) dst(%arg11 : memref<128x128xf32, #tpu.memory_space<vmem>>)
      %dma_start3A_92 = arith.constant 0 : i32
      %dma_start3A_93 = arith.constant 0 : i32
      %dma_start3A_94 = tpu.memref_slice %arg7[%dma_start3A_92, %dma_start3A_93] : memref<10240x128xf32, #tpu.memory_space<vmem_shared>> -> memref<10240x128xf32, #tpu.memory_space<vmem_shared>>
      tpu.enqueue_indirect_dma source(%arg11 : memref<128x128xf32, #tpu.memory_space<vmem>>) target(%dma_start3A_94 : memref<10240x128xf32, #tpu.memory_space<vmem_shared>>) offsets(%arg9 : memref<128xi32, #tpu.memory_space<vmem>>) semaphore(%arg15 : memref<!tpu.dma_semaphore, #tpu.memory_space<semaphore_mem>>) {add = true}
      %mul3A_95 = arith.constant 2 : i32
      %mul3A_96 = arith.muli %mul3A_95, %scan3A_61 : i32
      %add3A_97 = arith.constant 1 : i32
      %add3A_98 = arith.addi %mul3A_96, %add3A_97 : i32
      %lt3A_99 = arith.constant 38 : i32
      %lt3A_100 = arith.cmpi slt, %scan3A_61, %lt3A_99 : i32
      %convert_element_type3A_101 = arith.extui %lt3A_100 : i1 to i32
      %cond3A_102 = arith.constant 0 : i32
      %cond3A_103 = arith.cmpi ne, %convert_element_type3A_101, %cond3A_102 : i32
      scf.if %cond3A_103 {
        %dma_wait3A_116 = arith.constant 0 : i32
        %dma_wait3A_117 = arith.constant 0 : i32
        %dma_wait3A_118 = tpu.memref_slice %arg7[%dma_wait3A_116, %dma_wait3A_117] : memref<10240x128xf32, #tpu.memory_space<vmem_shared>> -> memref<10240x128xf32, #tpu.memory_space<vmem_shared>>
        tpu.wait_indirect_dma semaphore(%arg15 : memref<!tpu.dma_semaphore, #tpu.memory_space<semaphore_mem>>) src(%arg11 : memref<128x128xf32, #tpu.memory_space<vmem>>) dst(%dma_wait3A_118 : memref<10240x128xf32, #tpu.memory_space<vmem_shared>>)
        %add3A_119 = arith.constant 1 : i32
        %add3A_120 = arith.addi %add3A_98, %add3A_119 : i32
        %add3A_121 = arith.addi %add3A_4, %add3A_120 : i32
        %mul3A_122 = arith.constant 128 : i32
        %mul3A_123 = arith.muli %add3A_121, %mul3A_122 : i32
        %dma_start3A_124 = tpu.memref_slice %arg4[%mul3A_123] : memref<320000xi32, #tpu.memory_space<hbm>> -> memref<128xi32, #tpu.memory_space<hbm>>
        %dma_start3A_125 = tpu.memref_slice %arg4[%mul3A_123] : memref<320000xi32, #tpu.memory_space<hbm>> -> memref<128xi32, #tpu.memory_space<hbm>>
        tpu.enqueue_dma source(%dma_start3A_125 : memref<128xi32, #tpu.memory_space<hbm>>) target(%arg9 : memref<128xi32, #tpu.memory_space<vmem>>) target_semaphore(%arg13 : memref<!tpu.dma_semaphore, #tpu.memory_space<semaphore_mem>>)
        %mul3A_126 = arith.constant 128 : i32
        %mul3A_127 = arith.muli %add3A_120, %mul3A_126 : i32
        %dma_start3A_128 = tpu.memref_slice %arg8[%mul3A_127] : memref<10112xi32, #tpu.memory_space<vmem>> -> memref<128xi32, #tpu.memory_space<vmem>>
        %dma_start3A_129 = arith.constant 0 : i32
        %dma_start3A_130 = arith.constant 0 : i32
        %dma_start3A_131 = tpu.memref_slice %arg2[%dma_start3A_129, %dma_start3A_130] : memref<10000x128xf32, #tpu.memory_space<hbm>> -> memref<10000x128xf32, #tpu.memory_space<hbm>>
        tpu.enqueue_indirect_dma source(%dma_start3A_131 : memref<10000x128xf32, #tpu.memory_space<hbm>>) target(%arg11 : memref<128x128xf32, #tpu.memory_space<vmem>>) offsets(%dma_start3A_128 : memref<128xi32, #tpu.memory_space<vmem>>) semaphore(%arg13 : memref<!tpu.dma_semaphore, #tpu.memory_space<semaphore_mem>>)
      } else {
      }
      %dma_wait3A_104 = arith.constant 0 : i32
      %dma_wait3A_105 = tpu.memref_slice %arg4[%dma_wait3A_104] : memref<320000xi32, #tpu.memory_space<hbm>> -> memref<128xi32, #tpu.memory_space<hbm>>
      %dma_wait3A_106 = arith.constant 0 : i32
      %dma_wait3A_107 = tpu.memref_slice %arg4[%dma_wait3A_106] : memref<320000xi32, #tpu.memory_space<hbm>> -> memref<128xi32, #tpu.memory_space<hbm>>
      tpu.wait_dma2 semaphore(%arg14 : memref<!tpu.dma_semaphore, #tpu.memory_space<semaphore_mem>>) src(%dma_wait3A_107 : memref<128xi32, #tpu.memory_space<hbm>>) dst(%arg10 : memref<128xi32, #tpu.memory_space<vmem>>)
      %dma_wait3A_108 = arith.constant 0 : i32
      %dma_wait3A_109 = tpu.memref_slice %arg8[%dma_wait3A_108] : memref<10112xi32, #tpu.memory_space<vmem>> -> memref<128xi32, #tpu.memory_space<vmem>>
      %dma_wait3A_110 = arith.constant 0 : i32
      %dma_wait3A_111 = arith.constant 0 : i32
      %dma_wait3A_112 = tpu.memref_slice %arg2[%dma_wait3A_110, %dma_wait3A_111] : memref<10000x128xf32, #tpu.memory_space<hbm>> -> memref<10000x128xf32, #tpu.memory_space<hbm>>
      tpu.wait_indirect_dma semaphore(%arg14 : memref<!tpu.dma_semaphore, #tpu.memory_space<semaphore_mem>>) src(%dma_wait3A_112 : memref<10000x128xf32, #tpu.memory_space<hbm>>) dst(%arg12 : memref<128x128xf32, #tpu.memory_space<vmem>>)
      %dma_start3A_113 = arith.constant 0 : i32
      %dma_start3A_114 = arith.constant 0 : i32
      %dma_start3A_115 = tpu.memref_slice %arg7[%dma_start3A_113, %dma_start3A_114] : memref<10240x128xf32, #tpu.memory_space<vmem_shared>> -> memref<10240x128xf32, #tpu.memory_space<vmem_shared>>
      tpu.enqueue_indirect_dma source(%arg12 : memref<128x128xf32, #tpu.memory_space<vmem>>) target(%dma_start3A_115 : memref<10240x128xf32, #tpu.memory_space<vmem_shared>>) offsets(%arg10 : memref<128xi32, #tpu.memory_space<vmem>>) semaphore(%arg16 : memref<!tpu.dma_semaphore, #tpu.memory_space<semaphore_mem>>) {add = true}
    }
    %scan3A_44 = arith.constant 39 : i32
    %dma_wait3A_45 = arith.constant 0 : i32
    %dma_wait3A_46 = arith.constant 0 : i32
    %dma_wait3A_47 = tpu.memref_slice %arg7[%dma_wait3A_45, %dma_wait3A_46] : memref<10240x128xf32, #tpu.memory_space<vmem_shared>> -> memref<10240x128xf32, #tpu.memory_space<vmem_shared>>
    tpu.wait_indirect_dma semaphore(%arg15 : memref<!tpu.dma_semaphore, #tpu.memory_space<semaphore_mem>>) src(%arg11 : memref<128x128xf32, #tpu.memory_space<vmem>>) dst(%dma_wait3A_47 : memref<10240x128xf32, #tpu.memory_space<vmem_shared>>)
    %dma_wait3A_48 = arith.constant 0 : i32
    %dma_wait3A_49 = arith.constant 0 : i32
    %dma_wait3A_50 = tpu.memref_slice %arg7[%dma_wait3A_48, %dma_wait3A_49] : memref<10240x128xf32, #tpu.memory_space<vmem_shared>> -> memref<10240x128xf32, #tpu.memory_space<vmem_shared>>
    tpu.wait_indirect_dma semaphore(%arg16 : memref<!tpu.dma_semaphore, #tpu.memory_space<semaphore_mem>>) src(%arg12 : memref<128x128xf32, #tpu.memory_space<vmem>>) dst(%dma_wait3A_50 : memref<10240x128xf32, #tpu.memory_space<vmem_shared>>)
    %lt3A_51 = arith.constant 4 : i32
    %lt3A_52 = arith.cmpi slt, %add3A, %lt3A_51 : i32
    %convert_element_type3A_53 = arith.extui %lt3A_52 : i1 to i32
    %cond3A_54 = arith.constant 0 : i32
    %cond3A_55 = arith.cmpi ne, %convert_element_type3A_53, %cond3A_54 : i32
    scf.if %cond3A_55 {
      %add3A_61 = arith.constant 78 : i32
      %add3A_62 = arith.addi %add3A_4, %add3A_61 : i32
      %mul3A_63 = arith.constant 128 : i32
      %mul3A_64 = arith.muli %add3A_62, %mul3A_63 : i32
      %dma_start3A_65 = tpu.memref_slice %arg4[%mul3A_64] : memref<320000xi32, #tpu.memory_space<hbm>> -> memref<128xi32, #tpu.memory_space<hbm>>
      %dma_start3A_66 = tpu.memref_slice %arg4[%mul3A_64] : memref<320000xi32, #tpu.memory_space<hbm>> -> memref<128xi32, #tpu.memory_space<hbm>>
      tpu.enqueue_dma source(%dma_start3A_66 : memref<128xi32, #tpu.memory_space<hbm>>) target(%arg9 : memref<128xi32, #tpu.memory_space<vmem>>) target_semaphore(%arg13 : memref<!tpu.dma_semaphore, #tpu.memory_space<semaphore_mem>>)
      %dma_start3A_67 = arith.constant 9984 : i32
      %dma_start3A_68 = tpu.memref_slice %arg8[%dma_start3A_67] : memref<10112xi32, #tpu.memory_space<vmem>> -> memref<128xi32, #tpu.memory_space<vmem>>
      %dma_start3A_69 = arith.constant 0 : i32
      %dma_start3A_70 = arith.constant 0 : i32
      %dma_start3A_71 = tpu.memref_slice %arg2[%dma_start3A_69, %dma_start3A_70] : memref<10000x128xf32, #tpu.memory_space<hbm>> -> memref<10000x128xf32, #tpu.memory_space<hbm>>
      tpu.enqueue_indirect_dma source(%dma_start3A_71 : memref<10000x128xf32, #tpu.memory_space<hbm>>) target(%arg11 : memref<128x128xf32, #tpu.memory_space<vmem>>) offsets(%dma_start3A_68 : memref<128xi32, #tpu.memory_space<vmem>>) semaphore(%arg13 : memref<!tpu.dma_semaphore, #tpu.memory_space<semaphore_mem>>)
      %dma_wait3A_72 = arith.constant 0 : i32
      %dma_wait3A_73 = tpu.memref_slice %arg4[%dma_wait3A_72] : memref<320000xi32, #tpu.memory_space<hbm>> -> memref<128xi32, #tpu.memory_space<hbm>>
      %dma_wait3A_74 = arith.constant 0 : i32
      %dma_wait3A_75 = tpu.memref_slice %arg4[%dma_wait3A_74] : memref<320000xi32, #tpu.memory_space<hbm>> -> memref<128xi32, #tpu.memory_space<hbm>>
      tpu.wait_dma2 semaphore(%arg13 : memref<!tpu.dma_semaphore, #tpu.memory_space<semaphore_mem>>) src(%dma_wait3A_75 : memref<128xi32, #tpu.memory_space<hbm>>) dst(%arg9 : memref<128xi32, #tpu.memory_space<vmem>>)
      %dma_wait3A_76 = arith.constant 0 : i32
      %dma_wait3A_77 = tpu.memref_slice %arg8[%dma_wait3A_76] : memref<10112xi32, #tpu.memory_space<vmem>> -> memref<128xi32, #tpu.memory_space<vmem>>
      %dma_wait3A_78 = arith.constant 0 : i32
      %dma_wait3A_79 = arith.constant 0 : i32
      %dma_wait3A_80 = tpu.memref_slice %arg2[%dma_wait3A_78, %dma_wait3A_79] : memref<10000x128xf32, #tpu.memory_space<hbm>> -> memref<10000x128xf32, #tpu.memory_space<hbm>>
      tpu.wait_indirect_dma semaphore(%arg13 : memref<!tpu.dma_semaphore, #tpu.memory_space<semaphore_mem>>) src(%dma_wait3A_80 : memref<10000x128xf32, #tpu.memory_space<hbm>>) dst(%arg11 : memref<128x128xf32, #tpu.memory_space<vmem>>)
      "tpu.region"() ({
        %run_scoped3A = tpu.sem_alloc : memref<!tpu.dma_semaphore, #tpu.memory_space<semaphore_mem>>
        %dma_start3A_81 = arith.constant 0 : i32
        %dma_start3A_82 = arith.constant 0 : i32
        %dma_start3A_83 = tpu.memref_slice %arg7[%dma_start3A_81, %dma_start3A_82] : memref<10240x128xf32, #tpu.memory_space<vmem_shared>> -> memref<10240x128xf32, #tpu.memory_space<vmem_shared>>
        tpu.enqueue_indirect_dma source(%arg11 : memref<128x128xf32, #tpu.memory_space<vmem>>) target(%dma_start3A_83 : memref<10240x128xf32, #tpu.memory_space<vmem_shared>>) offsets(%arg9 : memref<128xi32, #tpu.memory_space<vmem>>) semaphore(%run_scoped3A : memref<!tpu.dma_semaphore, #tpu.memory_space<semaphore_mem>>) {add = true}
        %dma_wait3A_84 = arith.constant 0 : i32
        %dma_wait3A_85 = arith.constant 0 : i32
        %dma_wait3A_86 = tpu.memref_slice %arg7[%dma_wait3A_84, %dma_wait3A_85] : memref<10240x128xf32, #tpu.memory_space<vmem_shared>> -> memref<10240x128xf32, #tpu.memory_space<vmem_shared>>
        tpu.wait_indirect_dma semaphore(%run_scoped3A : memref<!tpu.dma_semaphore, #tpu.memory_space<semaphore_mem>>) src(%arg11 : memref<128x128xf32, #tpu.memory_space<vmem>>) dst(%dma_wait3A_86 : memref<10240x128xf32, #tpu.memory_space<vmem_shared>>)
        tpu.yield
      }) : () -> ()
    } else {
    }
    %barrier3A_56 = arith.constant 0 : index
    tpu.barrier barrier_id(%barrier3A_56)
    %mul3A_57 = arith.constant 640 : i32
    %mul3A_58 = arith.muli %arg1, %mul3A_57 : i32
    %mul3A_59 = arith.constant 640 : i32
    %mul3A_60 = arith.muli %arg1, %mul3A_59 : i32
    "tpu.region"() ({
      %run_scoped3A = tpu.sem_alloc : memref<!tpu.dma_semaphore, #tpu.memory_space<semaphore_mem>>
      %dma_start3A_61 = arith.constant 0 : i32
      %dma_start3A_62 = tpu.memref_slice %arg6[%arg0, %mul3A_60, %dma_start3A_61] : memref<2x10240x128xf32, #tpu.memory_space<hbm>> -> memref<1x640x128xf32, #tpu.memory_space<hbm>>
      %dma_start3A_63 = tpu.memref_squeeze %dma_start3A_62 : memref<1x640x128xf32, #tpu.memory_space<hbm>> -> memref<640x128xf32, #tpu.memory_space<hbm>>
      %dma_start3A_64 = arith.constant 0 : i32
      %dma_start3A_65 = tpu.memref_slice %arg7[%mul3A_58, %dma_start3A_64] : memref<10240x128xf32, #tpu.memory_space<vmem_shared>> -> memref<640x128xf32, #tpu.memory_space<vmem_shared>>
      tpu.enqueue_dma source(%dma_start3A_65 : memref<640x128xf32, #tpu.memory_space<vmem_shared>>) target(%dma_start3A_63 : memref<640x128xf32, #tpu.memory_space<hbm>>) target_semaphore(%run_scoped3A : memref<!tpu.dma_semaphore, #tpu.memory_space<semaphore_mem>>)
      %dma_wait3A_66 = arith.constant 0 : i32
      %dma_wait3A_67 = tpu.memref_slice %arg6[%arg0, %mul3A_60, %dma_wait3A_66] : memref<2x10240x128xf32, #tpu.memory_space<hbm>> -> memref<1x640x128xf32, #tpu.memory_space<hbm>>
      %dma_wait3A_68 = tpu.memref_squeeze %dma_wait3A_67 : memref<1x640x128xf32, #tpu.memory_space<hbm>> -> memref<640x128xf32, #tpu.memory_space<hbm>>
      %dma_wait3A_69 = arith.constant 0 : i32
      %dma_wait3A_70 = tpu.memref_slice %arg7[%mul3A_58, %dma_wait3A_69] : memref<10240x128xf32, #tpu.memory_space<vmem_shared>> -> memref<640x128xf32, #tpu.memory_space<vmem_shared>>
      tpu.wait_dma2 semaphore(%run_scoped3A : memref<!tpu.dma_semaphore, #tpu.memory_space<semaphore_mem>>) src(%dma_wait3A_70 : memref<640x128xf32, #tpu.memory_space<vmem_shared>>) dst(%dma_wait3A_68 : memref<640x128xf32, #tpu.memory_space<hbm>>)
      tpu.yield
    }) : () -> ()
    return
  }
}

#map = affine_map<(d0, d1) -> (0, 0)>
#map1 = affine_map<(d0, d1) -> (0)>
#map2 = affine_map<(d0, d1) -> (0, 0, 0)>
module attributes {stable_mosaic.version = 14 : i64} {
  func.func @_sc_segsum(%arg0: i32, %arg1: i32, %arg2: memref<10000x128xf32, #tpu.memory_space<hbm>>, %arg3: memref<320000xi32, #tpu.memory_space<hbm>>, %arg4: memref<320000xi32, #tpu.memory_space<hbm>>, %arg5: memref<640x128xf32, #tpu.memory_space<hbm>>, %arg6: memref<2x10240x128xf32, #tpu.memory_space<hbm>>, %arg7: memref<10240x128xf32, #tpu.memory_space<vmem_shared>>, %arg8: memref<10112xi32, #tpu.memory_space<vmem>>, %arg9: memref<128xi32, #tpu.memory_space<vmem>>, %arg10: memref<128xi32, #tpu.memory_space<vmem>>, %arg11: memref<128x128xf32, #tpu.memory_space<vmem>>, %arg12: memref<128x128xf32, #tpu.memory_space<vmem>>, %arg13: memref<!tpu.dma_semaphore, #tpu.memory_space<semaphore_mem>>, %arg14: memref<!tpu.dma_semaphore, #tpu.memory_space<semaphore_mem>>, %arg15: memref<!tpu.dma_semaphore, #tpu.memory_space<semaphore_mem>>, %arg16: memref<!tpu.dma_semaphore, #tpu.memory_space<semaphore_mem>>) attributes {dimension_semantics = [#tpu.dimension_semantics<core_parallel>, #tpu.dimension_semantics<subcore_parallel>], iteration_bounds = array<i64: 2, 16>, scalar_prefetch = 0 : i64, scratch_operands = 10 : i64, tpu.core_type = #tpu.core_type<sc_vector_subcore>, window_params = [{transform_indices = #map}, {transform_indices = #map1}, {transform_indices = #map1}, {transform_indices = #map}, {transform_indices = #map2}]} {
    %mul3A = arith.constant 16 : i32
    %mul3A_0 = arith.muli %arg0, %mul3A : i32
    %add3A = arith.addi %mul3A_0, %arg1 : i32
    %mul3A_1 = arith.constant 78 : i32
    %mul3A_2 = arith.muli %add3A, %mul3A_1 : i32
    %min3A = arith.constant 4 : i32
    %min3A_3 = arith.minsi %add3A, %min3A : i32
    %add3A_4 = arith.addi %mul3A_2, %min3A_3 : i32
    %mul3A_5 = arith.constant 640 : i32
    %mul3A_6 = arith.muli %arg1, %mul3A_5 : i32
    %dma_start3A = arith.constant 0 : i32
    %dma_start3A_7 = tpu.memref_slice %arg7[%mul3A_6, %dma_start3A] : memref<10240x128xf32, #tpu.memory_space<vmem_shared>> -> memref<640x128xf32, #tpu.memory_space<vmem_shared>>
    tpu.enqueue_dma source(%arg5 : memref<640x128xf32, #tpu.memory_space<hbm>>) target(%dma_start3A_7 : memref<640x128xf32, #tpu.memory_space<vmem_shared>>) target_semaphore(%arg13 : memref<!tpu.dma_semaphore, #tpu.memory_space<semaphore_mem>>)
    %mul3A_8 = arith.constant 128 : i32
    %mul3A_9 = arith.muli %add3A_4, %mul3A_8 : i32
    %dma_start3A_10 = arith.constant 0 : i32
    %dma_start3A_11 = tpu.memref_slice %arg8[%dma_start3A_10] : memref<10112xi32, #tpu.memory_space<vmem>> -> memref<9984xi32, #tpu.memory_space<vmem>>
    %dma_start3A_12 = tpu.memref_slice %arg3[%mul3A_9] : memref<320000xi32, #tpu.memory_space<hbm>> -> memref<9984xi32, #tpu.memory_space<hbm>>
    %dma_start3A_13 = arith.constant 0 : i32
    %dma_start3A_14 = tpu.memref_slice %arg8[%dma_start3A_13] : memref<10112xi32, #tpu.memory_space<vmem>> -> memref<9984xi32, #tpu.memory_space<vmem>>
    %dma_start3A_15 = tpu.memref_slice %arg3[%mul3A_9] : memref<320000xi32, #tpu.memory_space<hbm>> -> memref<9984xi32, #tpu.memory_space<hbm>>
    tpu.enqueue_dma source(%dma_start3A_15 : memref<9984xi32, #tpu.memory_space<hbm>>) target(%dma_start3A_14 : memref<9984xi32, #tpu.memory_space<vmem>>) target_semaphore(%arg14 : memref<!tpu.dma_semaphore, #tpu.memory_space<semaphore_mem>>)
    %lt3A = arith.constant 4 : i32
    %lt3A_16 = arith.cmpi slt, %add3A, %lt3A : i32
    %convert_element_type3A = arith.extui %lt3A_16 : i1 to i32
    %cond3A = arith.constant 0 : i32
    %cond3A_17 = arith.cmpi ne, %convert_element_type3A, %cond3A : i32
    scf.if %cond3A_17 {
      %add3A_61 = arith.constant 78 : i32
      %add3A_62 = arith.addi %add3A_4, %add3A_61 : i32
      %mul3A_63 = arith.constant 128 : i32
      %mul3A_64 = arith.muli %add3A_62, %mul3A_63 : i32
      "tpu.region"() ({
        %run_scoped3A = tpu.sem_alloc : memref<!tpu.dma_semaphore, #tpu.memory_space<semaphore_mem>>
        %dma_start3A_65 = arith.constant 9984 : i32
        %dma_start3A_66 = tpu.memref_slice %arg8[%dma_start3A_65] : memref<10112xi32, #tpu.memory_space<vmem>> -> memref<128xi32, #tpu.memory_space<vmem>>
        %dma_start3A_67 = tpu.memref_slice %arg3[%mul3A_64] : memref<320000xi32, #tpu.memory_space<hbm>> -> memref<128xi32, #tpu.memory_space<hbm>>
        %dma_start3A_68 = arith.constant 9984 : i32
        %dma_start3A_69 = tpu.memref_slice %arg8[%dma_start3A_68] : memref<10112xi32, #tpu.memory_space<vmem>> -> memref<128xi32, #tpu.memory_space<vmem>>
        %dma_start3A_70 = tpu.memref_slice %arg3[%mul3A_64] : memref<320000xi32, #tpu.memory_space<hbm>> -> memref<128xi32, #tpu.memory_space<hbm>>
        tpu.enqueue_dma source(%dma_start3A_70 : memref<128xi32, #tpu.memory_space<hbm>>) target(%dma_start3A_69 : memref<128xi32, #tpu.memory_space<vmem>>) target_semaphore(%run_scoped3A : memref<!tpu.dma_semaphore, #tpu.memory_space<semaphore_mem>>)
        %dma_wait3A_71 = arith.constant 9984 : i32
        %dma_wait3A_72 = tpu.memref_slice %arg8[%dma_wait3A_71] : memref<10112xi32, #tpu.memory_space<vmem>> -> memref<128xi32, #tpu.memory_space<vmem>>
        %dma_wait3A_73 = tpu.memref_slice %arg3[%mul3A_64] : memref<320000xi32, #tpu.memory_space<hbm>> -> memref<128xi32, #tpu.memory_space<hbm>>
        %dma_wait3A_74 = arith.constant 9984 : i32
        %dma_wait3A_75 = tpu.memref_slice %arg8[%dma_wait3A_74] : memref<10112xi32, #tpu.memory_space<vmem>> -> memref<128xi32, #tpu.memory_space<vmem>>
        %dma_wait3A_76 = tpu.memref_slice %arg3[%mul3A_64] : memref<320000xi32, #tpu.memory_space<hbm>> -> memref<128xi32, #tpu.memory_space<hbm>>
        tpu.wait_dma2 semaphore(%run_scoped3A : memref<!tpu.dma_semaphore, #tpu.memory_space<semaphore_mem>>) src(%dma_wait3A_76 : memref<128xi32, #tpu.memory_space<hbm>>) dst(%dma_wait3A_75 : memref<128xi32, #tpu.memory_space<vmem>>)
        tpu.yield
      }) : () -> ()
    } else {
    }
    %mul3A_18 = arith.constant 640 : i32
    %mul3A_19 = arith.muli %arg1, %mul3A_18 : i32
    %dma_wait3A = arith.constant 0 : i32
    %dma_wait3A_20 = tpu.memref_slice %arg7[%mul3A_19, %dma_wait3A] : memref<10240x128xf32, #tpu.memory_space<vmem_shared>> -> memref<640x128xf32, #tpu.memory_space<vmem_shared>>
    tpu.wait_dma2 semaphore(%arg13 : memref<!tpu.dma_semaphore, #tpu.memory_space<semaphore_mem>>) src(%arg5 : memref<640x128xf32, #tpu.memory_space<hbm>>) dst(%dma_wait3A_20 : memref<640x128xf32, #tpu.memory_space<vmem_shared>>)
    %mul3A_21 = arith.constant 128 : i32
    %mul3A_22 = arith.muli %add3A_4, %mul3A_21 : i32
    %dma_wait3A_23 = arith.constant 0 : i32
    %dma_wait3A_24 = tpu.memref_slice %arg8[%dma_wait3A_23] : memref<10112xi32, #tpu.memory_space<vmem>> -> memref<9984xi32, #tpu.memory_space<vmem>>
    %dma_wait3A_25 = tpu.memref_slice %arg3[%mul3A_22] : memref<320000xi32, #tpu.memory_space<hbm>> -> memref<9984xi32, #tpu.memory_space<hbm>>
    %dma_wait3A_26 = arith.constant 0 : i32
    %dma_wait3A_27 = tpu.memref_slice %arg8[%dma_wait3A_26] : memref<10112xi32, #tpu.memory_space<vmem>> -> memref<9984xi32, #tpu.memory_space<vmem>>
    %dma_wait3A_28 = tpu.memref_slice %arg3[%mul3A_22] : memref<320000xi32, #tpu.memory_space<hbm>> -> memref<9984xi32, #tpu.memory_space<hbm>>
    tpu.wait_dma2 semaphore(%arg14 : memref<!tpu.dma_semaphore, #tpu.memory_space<semaphore_mem>>) src(%dma_wait3A_28 : memref<9984xi32, #tpu.memory_space<hbm>>) dst(%dma_wait3A_27 : memref<9984xi32, #tpu.memory_space<vmem>>)
    %barrier3A = arith.constant 0 : index
    tpu.barrier barrier_id(%barrier3A)
    %add3A_29 = arith.constant 0 : i32
    %add3A_30 = arith.addi %add3A_4, %add3A_29 : i32
    %mul3A_31 = arith.constant 128 : i32
    %mul3A_32 = arith.muli %add3A_30, %mul3A_31 : i32
    %dma_start3A_33 = tpu.memref_slice %arg4[%mul3A_32] : memref<320000xi32, #tpu.memory_space<hbm>> -> memref<128xi32, #tpu.memory_space<hbm>>
    %dma_start3A_34 = tpu.memref_slice %arg4[%mul3A_32] : memref<320000xi32, #tpu.memory_space<hbm>> -> memref<128xi32, #tpu.memory_space<hbm>>
    tpu.enqueue_dma source(%dma_start3A_34 : memref<128xi32, #tpu.memory_space<hbm>>) target(%arg9 : memref<128xi32, #tpu.memory_space<vmem>>) target_semaphore(%arg13 : memref<!tpu.dma_semaphore, #tpu.memory_space<semaphore_mem>>)
    %dma_start3A_35 = arith.constant 0 : i32
    %dma_start3A_36 = tpu.memref_slice %arg8[%dma_start3A_35] : memref<10112xi32, #tpu.memory_space<vmem>> -> memref<128xi32, #tpu.memory_space<vmem>>
    %dma_start3A_37 = arith.constant 0 : i32
    %dma_start3A_38 = arith.constant 0 : i32
    %dma_start3A_39 = tpu.memref_slice %arg2[%dma_start3A_37, %dma_start3A_38] : memref<10000x128xf32, #tpu.memory_space<hbm>> -> memref<10000x128xf32, #tpu.memory_space<hbm>>
    tpu.enqueue_indirect_dma source(%dma_start3A_39 : memref<10000x128xf32, #tpu.memory_space<hbm>>) target(%arg11 : memref<128x128xf32, #tpu.memory_space<vmem>>) offsets(%dma_start3A_36 : memref<128xi32, #tpu.memory_space<vmem>>) semaphore(%arg13 : memref<!tpu.dma_semaphore, #tpu.memory_space<semaphore_mem>>)
    %scan3A = arith.constant 0 : i32
    %scan3A_40 = arith.constant 0 : i32
    %scan3A_41 = arith.constant 39 : i32
    %scan3A_42 = arith.addi %scan3A_40, %scan3A_41 : i32
    %scan3A_43 = arith.constant 1 : i32
    scf.for %scan3A_61 = %scan3A_40 to %scan3A_42 step %scan3A_43  : i32 {
      %mul3A_62 = arith.constant 2 : i32
      %mul3A_63 = arith.muli %mul3A_62, %scan3A_61 : i32
      %add3A_64 = arith.constant 0 : i32
      %add3A_65 = arith.addi %mul3A_63, %add3A_64 : i32
      %gt3A = arith.constant 0 : i32
      %gt3A_66 = arith.cmpi sgt, %scan3A_61, %gt3A : i32
      %convert_element_type3A_67 = arith.extui %gt3A_66 : i1 to i32
      %cond3A_68 = arith.constant 0 : i32
      %cond3A_69 = arith.cmpi ne, %convert_element_type3A_67, %cond3A_68 : i32
      scf.if %cond3A_69 {
        %dma_wait3A_116 = arith.constant 0 : i32
        %dma_wait3A_117 = arith.constant 0 : i32
        %dma_wait3A_118 = tpu.memref_slice %arg7[%dma_wait3A_116, %dma_wait3A_117] : memref<10240x128xf32, #tpu.memory_space<vmem_shared>> -> memref<10240x128xf32, #tpu.memory_space<vmem_shared>>
        tpu.wait_indirect_dma semaphore(%arg16 : memref<!tpu.dma_semaphore, #tpu.memory_space<semaphore_mem>>) src(%arg12 : memref<128x128xf32, #tpu.memory_space<vmem>>) dst(%dma_wait3A_118 : memref<10240x128xf32, #tpu.memory_space<vmem_shared>>)
      } else {
      }
      %add3A_70 = arith.constant 1 : i32
      %add3A_71 = arith.addi %add3A_65, %add3A_70 : i32
      %add3A_72 = arith.addi %add3A_4, %add3A_71 : i32
      %mul3A_73 = arith.constant 128 : i32
      %mul3A_74 = arith.muli %add3A_72, %mul3A_73 : i32
      %dma_start3A_75 = tpu.memref_slice %arg4[%mul3A_74] : memref<320000xi32, #tpu.memory_space<hbm>> -> memref<128xi32, #tpu.memory_space<hbm>>
      %dma_start3A_76 = tpu.memref_slice %arg4[%mul3A_74] : memref<320000xi32, #tpu.memory_space<hbm>> -> memref<128xi32, #tpu.memory_space<hbm>>
      tpu.enqueue_dma source(%dma_start3A_76 : memref<128xi32, #tpu.memory_space<hbm>>) target(%arg10 : memref<128xi32, #tpu.memory_space<vmem>>) target_semaphore(%arg14 : memref<!tpu.dma_semaphore, #tpu.memory_space<semaphore_mem>>)
      %mul3A_77 = arith.constant 128 : i32
      %mul3A_78 = arith.muli %add3A_71, %mul3A_77 : i32
      %dma_start3A_79 = tpu.memref_slice %arg8[%mul3A_78] : memref<10112xi32, #tpu.memory_space<vmem>> -> memref<128xi32, #tpu.memory_space<vmem>>
      %dma_start3A_80 = arith.constant 0 : i32
      %dma_start3A_81 = arith.constant 0 : i32
      %dma_start3A_82 = tpu.memref_slice %arg2[%dma_start3A_80, %dma_start3A_81] : memref<10000x128xf32, #tpu.memory_space<hbm>> -> memref<10000x128xf32, #tpu.memory_space<hbm>>
      tpu.enqueue_indirect_dma source(%dma_start3A_82 : memref<10000x128xf32, #tpu.memory_space<hbm>>) target(%arg12 : memref<128x128xf32, #tpu.memory_space<vmem>>) offsets(%dma_start3A_79 : memref<128xi32, #tpu.memory_space<vmem>>) semaphore(%arg14 : memref<!tpu.dma_semaphore, #tpu.memory_space<semaphore_mem>>)
      %dma_wait3A_83 = arith.constant 0 : i32
      %dma_wait3A_84 = tpu.memref_slice %arg4[%dma_wait3A_83] : memref<320000xi32, #tpu.memory_space<hbm>> -> memref<128xi32, #tpu.memory_space<hbm>>
      %dma_wait3A_85 = arith.constant 0 : i32
      %dma_wait3A_86 = tpu.memref_slice %arg4[%dma_wait3A_85] : memref<320000xi32, #tpu.memory_space<hbm>> -> memref<128xi32, #tpu.memory_space<hbm>>
      tpu.wait_dma2 semaphore(%arg13 : memref<!tpu.dma_semaphore, #tpu.memory_space<semaphore_mem>>) src(%dma_wait3A_86 : memref<128xi32, #tpu.memory_space<hbm>>) dst(%arg9 : memref<128xi32, #tpu.memory_space<vmem>>)
      %dma_wait3A_87 = arith.constant 0 : i32
      %dma_wait3A_88 = tpu.memref_slice %arg8[%dma_wait3A_87] : memref<10112xi32, #tpu.memory_space<vmem>> -> memref<128xi32, #tpu.memory_space<vmem>>
      %dma_wait3A_89 = arith.constant 0 : i32
      %dma_wait3A_90 = arith.constant 0 : i32
      %dma_wait3A_91 = tpu.memref_slice %arg2[%dma_wait3A_89, %dma_wait3A_90] : memref<10000x128xf32, #tpu.memory_space<hbm>> -> memref<10000x128xf32, #tpu.memory_space<hbm>>
      tpu.wait_indirect_dma semaphore(%arg13 : memref<!tpu.dma_semaphore, #tpu.memory_space<semaphore_mem>>) src(%dma_wait3A_91 : memref<10000x128xf32, #tpu.memory_space<hbm>>) dst(%arg11 : memref<128x128xf32, #tpu.memory_space<vmem>>)
      %dma_start3A_92 = arith.constant 0 : i32
      %dma_start3A_93 = arith.constant 0 : i32
      %dma_start3A_94 = tpu.memref_slice %arg7[%dma_start3A_92, %dma_start3A_93] : memref<10240x128xf32, #tpu.memory_space<vmem_shared>> -> memref<10240x128xf32, #tpu.memory_space<vmem_shared>>
      tpu.enqueue_indirect_dma source(%arg11 : memref<128x128xf32, #tpu.memory_space<vmem>>) target(%dma_start3A_94 : memref<10240x128xf32, #tpu.memory_space<vmem_shared>>) offsets(%arg9 : memref<128xi32, #tpu.memory_space<vmem>>) semaphore(%arg15 : memref<!tpu.dma_semaphore, #tpu.memory_space<semaphore_mem>>) {add = true}
      %mul3A_95 = arith.constant 2 : i32
      %mul3A_96 = arith.muli %mul3A_95, %scan3A_61 : i32
      %add3A_97 = arith.constant 1 : i32
      %add3A_98 = arith.addi %mul3A_96, %add3A_97 : i32
      %lt3A_99 = arith.constant 38 : i32
      %lt3A_100 = arith.cmpi slt, %scan3A_61, %lt3A_99 : i32
      %convert_element_type3A_101 = arith.extui %lt3A_100 : i1 to i32
      %cond3A_102 = arith.constant 0 : i32
      %cond3A_103 = arith.cmpi ne, %convert_element_type3A_101, %cond3A_102 : i32
      scf.if %cond3A_103 {
        %dma_wait3A_116 = arith.constant 0 : i32
        %dma_wait3A_117 = arith.constant 0 : i32
        %dma_wait3A_118 = tpu.memref_slice %arg7[%dma_wait3A_116, %dma_wait3A_117] : memref<10240x128xf32, #tpu.memory_space<vmem_shared>> -> memref<10240x128xf32, #tpu.memory_space<vmem_shared>>
        tpu.wait_indirect_dma semaphore(%arg15 : memref<!tpu.dma_semaphore, #tpu.memory_space<semaphore_mem>>) src(%arg11 : memref<128x128xf32, #tpu.memory_space<vmem>>) dst(%dma_wait3A_118 : memref<10240x128xf32, #tpu.memory_space<vmem_shared>>)
        %add3A_119 = arith.constant 1 : i32
        %add3A_120 = arith.addi %add3A_98, %add3A_119 : i32
        %add3A_121 = arith.addi %add3A_4, %add3A_120 : i32
        %mul3A_122 = arith.constant 128 : i32
        %mul3A_123 = arith.muli %add3A_121, %mul3A_122 : i32
        %dma_start3A_124 = tpu.memref_slice %arg4[%mul3A_123] : memref<320000xi32, #tpu.memory_space<hbm>> -> memref<128xi32, #tpu.memory_space<hbm>>
        %dma_start3A_125 = tpu.memref_slice %arg4[%mul3A_123] : memref<320000xi32, #tpu.memory_space<hbm>> -> memref<128xi32, #tpu.memory_space<hbm>>
        tpu.enqueue_dma source(%dma_start3A_125 : memref<128xi32, #tpu.memory_space<hbm>>) target(%arg9 : memref<128xi32, #tpu.memory_space<vmem>>) target_semaphore(%arg13 : memref<!tpu.dma_semaphore, #tpu.memory_space<semaphore_mem>>)
        %mul3A_126 = arith.constant 128 : i32
        %mul3A_127 = arith.muli %add3A_120, %mul3A_126 : i32
        %dma_start3A_128 = tpu.memref_slice %arg8[%mul3A_127] : memref<10112xi32, #tpu.memory_space<vmem>> -> memref<128xi32, #tpu.memory_space<vmem>>
        %dma_start3A_129 = arith.constant 0 : i32
        %dma_start3A_130 = arith.constant 0 : i32
        %dma_start3A_131 = tpu.memref_slice %arg2[%dma_start3A_129, %dma_start3A_130] : memref<10000x128xf32, #tpu.memory_space<hbm>> -> memref<10000x128xf32, #tpu.memory_space<hbm>>
        tpu.enqueue_indirect_dma source(%dma_start3A_131 : memref<10000x128xf32, #tpu.memory_space<hbm>>) target(%arg11 : memref<128x128xf32, #tpu.memory_space<vmem>>) offsets(%dma_start3A_128 : memref<128xi32, #tpu.memory_space<vmem>>) semaphore(%arg13 : memref<!tpu.dma_semaphore, #tpu.memory_space<semaphore_mem>>)
      } else {
      }
      %dma_wait3A_104 = arith.constant 0 : i32
      %dma_wait3A_105 = tpu.memref_slice %arg4[%dma_wait3A_104] : memref<320000xi32, #tpu.memory_space<hbm>> -> memref<128xi32, #tpu.memory_space<hbm>>
      %dma_wait3A_106 = arith.constant 0 : i32
      %dma_wait3A_107 = tpu.memref_slice %arg4[%dma_wait3A_106] : memref<320000xi32, #tpu.memory_space<hbm>> -> memref<128xi32, #tpu.memory_space<hbm>>
      tpu.wait_dma2 semaphore(%arg14 : memref<!tpu.dma_semaphore, #tpu.memory_space<semaphore_mem>>) src(%dma_wait3A_107 : memref<128xi32, #tpu.memory_space<hbm>>) dst(%arg10 : memref<128xi32, #tpu.memory_space<vmem>>)
      %dma_wait3A_108 = arith.constant 0 : i32
      %dma_wait3A_109 = tpu.memref_slice %arg8[%dma_wait3A_108] : memref<10112xi32, #tpu.memory_space<vmem>> -> memref<128xi32, #tpu.memory_space<vmem>>
      %dma_wait3A_110 = arith.constant 0 : i32
      %dma_wait3A_111 = arith.constant 0 : i32
      %dma_wait3A_112 = tpu.memref_slice %arg2[%dma_wait3A_110, %dma_wait3A_111] : memref<10000x128xf32, #tpu.memory_space<hbm>> -> memref<10000x128xf32, #tpu.memory_space<hbm>>
      tpu.wait_indirect_dma semaphore(%arg14 : memref<!tpu.dma_semaphore, #tpu.memory_space<semaphore_mem>>) src(%dma_wait3A_112 : memref<10000x128xf32, #tpu.memory_space<hbm>>) dst(%arg12 : memref<128x128xf32, #tpu.memory_space<vmem>>)
      %dma_start3A_113 = arith.constant 0 : i32
      %dma_start3A_114 = arith.constant 0 : i32
      %dma_start3A_115 = tpu.memref_slice %arg7[%dma_start3A_113, %dma_start3A_114] : memref<10240x128xf32, #tpu.memory_space<vmem_shared>> -> memref<10240x128xf32, #tpu.memory_space<vmem_shared>>
      tpu.enqueue_indirect_dma source(%arg12 : memref<128x128xf32, #tpu.memory_space<vmem>>) target(%dma_start3A_115 : memref<10240x128xf32, #tpu.memory_space<vmem_shared>>) offsets(%arg10 : memref<128xi32, #tpu.memory_space<vmem>>) semaphore(%arg16 : memref<!tpu.dma_semaphore, #tpu.memory_space<semaphore_mem>>) {add = true}
    }
    %scan3A_44 = arith.constant 39 : i32
    %dma_wait3A_45 = arith.constant 0 : i32
    %dma_wait3A_46 = arith.constant 0 : i32
    %dma_wait3A_47 = tpu.memref_slice %arg7[%dma_wait3A_45, %dma_wait3A_46] : memref<10240x128xf32, #tpu.memory_space<vmem_shared>> -> memref<10240x128xf32, #tpu.memory_space<vmem_shared>>
    tpu.wait_indirect_dma semaphore(%arg15 : memref<!tpu.dma_semaphore, #tpu.memory_space<semaphore_mem>>) src(%arg11 : memref<128x128xf32, #tpu.memory_space<vmem>>) dst(%dma_wait3A_47 : memref<10240x128xf32, #tpu.memory_space<vmem_shared>>)
    %dma_wait3A_48 = arith.constant 0 : i32
    %dma_wait3A_49 = arith.constant 0 : i32
    %dma_wait3A_50 = tpu.memref_slice %arg7[%dma_wait3A_48, %dma_wait3A_49] : memref<10240x128xf32, #tpu.memory_space<vmem_shared>> -> memref<10240x128xf32, #tpu.memory_space<vmem_shared>>
    tpu.wait_indirect_dma semaphore(%arg16 : memref<!tpu.dma_semaphore, #tpu.memory_space<semaphore_mem>>) src(%arg12 : memref<128x128xf32, #tpu.memory_space<vmem>>) dst(%dma_wait3A_50 : memref<10240x128xf32, #tpu.memory_space<vmem_shared>>)
    %lt3A_51 = arith.constant 4 : i32
    %lt3A_52 = arith.cmpi slt, %add3A, %lt3A_51 : i32
    %convert_element_type3A_53 = arith.extui %lt3A_52 : i1 to i32
    %cond3A_54 = arith.constant 0 : i32
    %cond3A_55 = arith.cmpi ne, %convert_element_type3A_53, %cond3A_54 : i32
    scf.if %cond3A_55 {
      %add3A_61 = arith.constant 78 : i32
      %add3A_62 = arith.addi %add3A_4, %add3A_61 : i32
      %mul3A_63 = arith.constant 128 : i32
      %mul3A_64 = arith.muli %add3A_62, %mul3A_63 : i32
      %dma_start3A_65 = tpu.memref_slice %arg4[%mul3A_64] : memref<320000xi32, #tpu.memory_space<hbm>> -> memref<128xi32, #tpu.memory_space<hbm>>
      %dma_start3A_66 = tpu.memref_slice %arg4[%mul3A_64] : memref<320000xi32, #tpu.memory_space<hbm>> -> memref<128xi32, #tpu.memory_space<hbm>>
      tpu.enqueue_dma source(%dma_start3A_66 : memref<128xi32, #tpu.memory_space<hbm>>) target(%arg9 : memref<128xi32, #tpu.memory_space<vmem>>) target_semaphore(%arg13 : memref<!tpu.dma_semaphore, #tpu.memory_space<semaphore_mem>>)
      %dma_start3A_67 = arith.constant 9984 : i32
      %dma_start3A_68 = tpu.memref_slice %arg8[%dma_start3A_67] : memref<10112xi32, #tpu.memory_space<vmem>> -> memref<128xi32, #tpu.memory_space<vmem>>
      %dma_start3A_69 = arith.constant 0 : i32
      %dma_start3A_70 = arith.constant 0 : i32
      %dma_start3A_71 = tpu.memref_slice %arg2[%dma_start3A_69, %dma_start3A_70] : memref<10000x128xf32, #tpu.memory_space<hbm>> -> memref<10000x128xf32, #tpu.memory_space<hbm>>
      tpu.enqueue_indirect_dma source(%dma_start3A_71 : memref<10000x128xf32, #tpu.memory_space<hbm>>) target(%arg11 : memref<128x128xf32, #tpu.memory_space<vmem>>) offsets(%dma_start3A_68 : memref<128xi32, #tpu.memory_space<vmem>>) semaphore(%arg13 : memref<!tpu.dma_semaphore, #tpu.memory_space<semaphore_mem>>)
      %dma_wait3A_72 = arith.constant 0 : i32
      %dma_wait3A_73 = tpu.memref_slice %arg4[%dma_wait3A_72] : memref<320000xi32, #tpu.memory_space<hbm>> -> memref<128xi32, #tpu.memory_space<hbm>>
      %dma_wait3A_74 = arith.constant 0 : i32
      %dma_wait3A_75 = tpu.memref_slice %arg4[%dma_wait3A_74] : memref<320000xi32, #tpu.memory_space<hbm>> -> memref<128xi32, #tpu.memory_space<hbm>>
      tpu.wait_dma2 semaphore(%arg13 : memref<!tpu.dma_semaphore, #tpu.memory_space<semaphore_mem>>) src(%dma_wait3A_75 : memref<128xi32, #tpu.memory_space<hbm>>) dst(%arg9 : memref<128xi32, #tpu.memory_space<vmem>>)
      %dma_wait3A_76 = arith.constant 0 : i32
      %dma_wait3A_77 = tpu.memref_slice %arg8[%dma_wait3A_76] : memref<10112xi32, #tpu.memory_space<vmem>> -> memref<128xi32, #tpu.memory_space<vmem>>
      %dma_wait3A_78 = arith.constant 0 : i32
      %dma_wait3A_79 = arith.constant 0 : i32
      %dma_wait3A_80 = tpu.memref_slice %arg2[%dma_wait3A_78, %dma_wait3A_79] : memref<10000x128xf32, #tpu.memory_space<hbm>> -> memref<10000x128xf32, #tpu.memory_space<hbm>>
      tpu.wait_indirect_dma semaphore(%arg13 : memref<!tpu.dma_semaphore, #tpu.memory_space<semaphore_mem>>) src(%dma_wait3A_80 : memref<10000x128xf32, #tpu.memory_space<hbm>>) dst(%arg11 : memref<128x128xf32, #tpu.memory_space<vmem>>)
      "tpu.region"() ({
        %run_scoped3A = tpu.sem_alloc : memref<!tpu.dma_semaphore, #tpu.memory_space<semaphore_mem>>
        %dma_start3A_81 = arith.constant 0 : i32
        %dma_start3A_82 = arith.constant 0 : i32
        %dma_start3A_83 = tpu.memref_slice %arg7[%dma_start3A_81, %dma_start3A_82] : memref<10240x128xf32, #tpu.memory_space<vmem_shared>> -> memref<10240x128xf32, #tpu.memory_space<vmem_shared>>
        tpu.enqueue_indirect_dma source(%arg11 : memref<128x128xf32, #tpu.memory_space<vmem>>) target(%dma_start3A_83 : memref<10240x128xf32, #tpu.memory_space<vmem_shared>>) offsets(%arg9 : memref<128xi32, #tpu.memory_space<vmem>>) semaphore(%run_scoped3A : memref<!tpu.dma_semaphore, #tpu.memory_space<semaphore_mem>>) {add = true}
        %dma_wait3A_84 = arith.constant 0 : i32
        %dma_wait3A_85 = arith.constant 0 : i32
        %dma_wait3A_86 = tpu.memref_slice %arg7[%dma_wait3A_84, %dma_wait3A_85] : memref<10240x128xf32, #tpu.memory_space<vmem_shared>> -> memref<10240x128xf32, #tpu.memory_space<vmem_shared>>
        tpu.wait_indirect_dma semaphore(%run_scoped3A : memref<!tpu.dma_semaphore, #tpu.memory_space<semaphore_mem>>) src(%arg11 : memref<128x128xf32, #tpu.memory_space<vmem>>) dst(%dma_wait3A_86 : memref<10240x128xf32, #tpu.memory_space<vmem_shared>>)
        tpu.yield
      }) : () -> ()
    } else {
    }
    %barrier3A_56 = arith.constant 0 : index
    tpu.barrier barrier_id(%barrier3A_56)
    %mul3A_57 = arith.constant 640 : i32
    %mul3A_58 = arith.muli %arg1, %mul3A_57 : i32
    %mul3A_59 = arith.constant 640 : i32
    %mul3A_60 = arith.muli %arg1, %mul3A_59 : i32
    "tpu.region"() ({
      %run_scoped3A = tpu.sem_alloc : memref<!tpu.dma_semaphore, #tpu.memory_space<semaphore_mem>>
      %dma_start3A_61 = arith.constant 0 : i32
      %dma_start3A_62 = tpu.memref_slice %arg6[%arg0, %mul3A_60, %dma_start3A_61] : memref<2x10240x128xf32, #tpu.memory_space<hbm>> -> memref<1x640x128xf32, #tpu.memory_space<hbm>>
      %dma_start3A_63 = tpu.memref_squeeze %dma_start3A_62 : memref<1x640x128xf32, #tpu.memory_space<hbm>> -> memref<640x128xf32, #tpu.memory_space<hbm>>
      %dma_start3A_64 = arith.constant 0 : i32
      %dma_start3A_65 = tpu.memref_slice %arg7[%mul3A_58, %dma_start3A_64] : memref<10240x128xf32, #tpu.memory_space<vmem_shared>> -> memref<640x128xf32, #tpu.memory_space<vmem_shared>>
      tpu.enqueue_dma source(%dma_start3A_65 : memref<640x128xf32, #tpu.memory_space<vmem_shared>>) target(%dma_start3A_63 : memref<640x128xf32, #tpu.memory_space<hbm>>) target_semaphore(%run_scoped3A : memref<!tpu.dma_semaphore, #tpu.memory_space<semaphore_mem>>)
      %dma_wait3A_66 = arith.constant 0 : i32
      %dma_wait3A_67 = tpu.memref_slice %arg6[%arg0, %mul3A_60, %dma_wait3A_66] : memref<2x10240x128xf32, #tpu.memory_space<hbm>> -> memref<1x640x128xf32, #tpu.memory_space<hbm>>
      %dma_wait3A_68 = tpu.memref_squeeze %dma_wait3A_67 : memref<1x640x128xf32, #tpu.memory_space<hbm>> -> memref<640x128xf32, #tpu.memory_space<hbm>>
      %dma_wait3A_69 = arith.constant 0 : i32
      %dma_wait3A_70 = tpu.memref_slice %arg7[%mul3A_58, %dma_wait3A_69] : memref<10240x128xf32, #tpu.memory_space<vmem_shared>> -> memref<640x128xf32, #tpu.memory_space<vmem_shared>>
      tpu.wait_dma2 semaphore(%run_scoped3A : memref<!tpu.dma_semaphore, #tpu.memory_space<semaphore_mem>>) src(%dma_wait3A_70 : memref<640x128xf32, #tpu.memory_space<vmem_shared>>) dst(%dma_wait3A_68 : memref<640x128xf32, #tpu.memory_space<hbm>>)
      tpu.yield
    }) : () -> ()
    return
  }
}

module attributes {stable_mosaic.version = 14 : i64} {
  func.func @_tc_scale_body(%arg0: i32, %arg1: memref<1x2000x128xf32, #tpu.memory_space<vmem>>, %arg2: memref<1x2000x128xf32, #tpu.memory_space<vmem>>, %arg3: memref<2000x128xf32, #tpu.memory_space<vmem>>, %arg4: memref<2000x128xf32, #tpu.memory_space<vmem>>) attributes {dimension_semantics = [#tpu.dimension_semantics<arbitrary>], iteration_bounds = array<i64: 5>, scalar_prefetch = 0 : i64, scratch_operands = 0 : i64, tpu.core_type = #tpu.core_type<tc>, window_params = [{transform_indices = @transform_0, window_bounds = array<i64: 1, 2000, 128>}, {transform_indices = @transform_1, window_bounds = array<i64: 1, 2000, 128>}, {transform_indices = @transform_2, window_bounds = array<i64: 2000, 128>}, {transform_indices = @transform_3, window_bounds = array<i64: 2000, 128>}]} {
    %get3A = arith.constant 0 : index
    %get3A_0 = arith.constant 0 : index
    %get3A_1 = arith.constant 0 : index
    %get3A_2 = vector.load %arg1[%get3A, %get3A_0, %get3A_1] : memref<1x2000x128xf32, #tpu.memory_space<vmem>>, vector<1x2000x1xf32>
    %get3A_3 = vector.shape_cast %get3A_2 : vector<1x2000x1xf32> to vector<2000x1xf32>
    %get3A_4 = arith.constant 0 : index
    %get3A_5 = arith.constant 0 : index
    %get3A_6 = arith.constant 0 : index
    %get3A_7 = vector.load %arg2[%get3A_4, %get3A_5, %get3A_6] : memref<1x2000x128xf32, #tpu.memory_space<vmem>>, vector<1x2000x1xf32>
    %get3A_8 = vector.shape_cast %get3A_7 : vector<1x2000x1xf32> to vector<2000x1xf32>
    %add3A = arith.addf %get3A_3, %get3A_8 : vector<2000x1xf32>
    %add3A_9 = arith.constant 1.000000e+00 : f32
    %add3A_10 = vector.broadcast %add3A_9 : f32 to vector<2000x1xf32>
    %add3A_11 = arith.addf %add3A, %add3A_10 : vector<2000x1xf32>
    %rsqrt3A = math.rsqrt %add3A_11 : vector<2000x1xf32>
    %get3A_12 = arith.constant 0 : index
    %get3A_13 = arith.constant 0 : index
    %get3A_14 = vector.load %arg3[%get3A_12, %get3A_13] : memref<2000x128xf32, #tpu.memory_space<vmem>>, vector<2000x128xf32>
    %mul3A = vector.broadcast %rsqrt3A : vector<2000x1xf32> to vector<2000x128xf32>
    %mul3A_15 = arith.mulf %mul3A, %get3A_14 : vector<2000x128xf32>
    %swap3A = arith.constant 0 : index
    %swap3A_16 = arith.constant 0 : index
    %swap3A_17 = vector.load %arg4[%swap3A, %swap3A_16] : memref<2000x128xf32, #tpu.memory_space<vmem>>, vector<2000x128xf32>
    tpu.vector_store %arg4[%swap3A, %swap3A_16], %mul3A_15 {strides = array<i32>} : memref<2000x128xf32, #tpu.memory_space<vmem>>, vector<2000x128xf32>,
    return
  }
  func.func @transform_0(%arg0: i32) -> (i32, i32, i32) {
    %c0_i32 = arith.constant 0 : i32
    %c0_i32_0 = arith.constant 0 : i32
    %c0_i32_1 = arith.constant 0 : i32
    return %c0_i32, %arg0, %c0_i32_0 : i32, i32, i32
  }
  func.func @transform_1(%arg0: i32) -> (i32, i32, i32) {
    %c1_i32 = arith.constant 1 : i32
    %c0_i32 = arith.constant 0 : i32
    %c0_i32_0 = arith.constant 0 : i32
    return %c1_i32, %arg0, %c0_i32 : i32, i32, i32
  }
  func.func @transform_2(%arg0: i32) -> (i32, i32) {
    %c0_i32 = arith.constant 0 : i32
    %c0_i32_0 = arith.constant 0 : i32
    return %arg0, %c0_i32 : i32, i32
  }
  func.func @transform_3(%arg0: i32) -> (i32, i32) {
    %c0_i32 = arith.constant 0 : i32
    %c0_i32_0 = arith.constant 0 : i32
    return %arg0, %c0_i32 : i32, i32
  }
}

module attributes {stable_mosaic.version = 14 : i64} {
  func.func @_tc_layer_body(%arg0: i32, %arg1: memref<1x2000x128xf32, #tpu.memory_space<vmem>>, %arg2: memref<1x2000x128xf32, #tpu.memory_space<vmem>>, %arg3: memref<1x2000x128xf32, #tpu.memory_space<vmem>>, %arg4: memref<1x2000x128xf32, #tpu.memory_space<vmem>>, %arg5: memref<2000x128xf32, #tpu.memory_space<vmem>>, %arg6: memref<2000x4xf32, #tpu.memory_space<vmem>>, %arg7: memref<128x384xf32, #tpu.memory_space<vmem>>, %arg8: memref<384xf32, #tpu.memory_space<vmem>>, %arg9: memref<3x4xf32, #tpu.memory_space<vmem>>, %arg10: memref<2000x128xf32, #tpu.memory_space<vmem>>, %arg11: memref<2000x128xf32, #tpu.memory_space<vmem>>) attributes {dimension_semantics = [#tpu.dimension_semantics<arbitrary>], iteration_bounds = array<i64: 5>, scalar_prefetch = 0 : i64, scratch_operands = 0 : i64, tpu.core_type = #tpu.core_type<tc>, window_params = [{transform_indices = @transform_0, window_bounds = array<i64: 1, 2000, 128>}, {transform_indices = @transform_1, window_bounds = array<i64: 1, 2000, 128>}, {transform_indices = @transform_2, window_bounds = array<i64: 1, 2000, 128>}, {transform_indices = @transform_3, window_bounds = array<i64: 1, 2000, 128>}, {transform_indices = @transform_4, window_bounds = array<i64: 2000, 128>}, {transform_indices = @transform_5, window_bounds = array<i64: 2000, 4>}, {pipeline_mode = #tpu.pipeline_mode<synchronous>, transform_indices = @transform_6, window_bounds = array<i64: 128, 384>}, {pipeline_mode = #tpu.pipeline_mode<synchronous>, transform_indices = @transform_7, window_bounds = array<i64: 384>}, {pipeline_mode = #tpu.pipeline_mode<synchronous>, transform_indices = @transform_8, window_bounds = array<i64: 3, 4>}, {transform_indices = @transform_9, window_bounds = array<i64: 2000, 128>}, {transform_indices = @transform_10, window_bounds = array<i64: 2000, 128>}]} {
    %get3A = arith.constant 0 : index
    %get3A_0 = arith.constant 0 : index
    %get3A_1 = arith.constant 0 : index
    %get3A_2 = vector.load %arg3[%get3A, %get3A_0, %get3A_1] : memref<1x2000x128xf32, #tpu.memory_space<vmem>>, vector<1x2000x1xf32>
    %get3A_3 = vector.shape_cast %get3A_2 : vector<1x2000x1xf32> to vector<2000x1xf32>
    %get3A_4 = arith.constant 0 : index
    %get3A_5 = arith.constant 0 : index
    %get3A_6 = arith.constant 0 : index
    %get3A_7 = vector.load %arg4[%get3A_4, %get3A_5, %get3A_6] : memref<1x2000x128xf32, #tpu.memory_space<vmem>>, vector<1x2000x1xf32>
    %get3A_8 = vector.shape_cast %get3A_7 : vector<1x2000x1xf32> to vector<2000x1xf32>
    %add3A = arith.addf %get3A_3, %get3A_8 : vector<2000x1xf32>
    %add3A_9 = arith.constant 1.000000e+00 : f32
    %add3A_10 = vector.broadcast %add3A_9 : f32 to vector<2000x1xf32>
    %add3A_11 = arith.addf %add3A, %add3A_10 : vector<2000x1xf32>
    %rsqrt3A = math.rsqrt %add3A_11 : vector<2000x1xf32>
    %get3A_12 = arith.constant 0 : index
    %get3A_13 = arith.constant 0 : index
    %get3A_14 = arith.constant 0 : index
    %get3A_15 = vector.load %arg1[%get3A_12, %get3A_13, %get3A_14] : memref<1x2000x128xf32, #tpu.memory_space<vmem>>, vector<1x2000x128xf32>
    %get3A_16 = vector.shape_cast %get3A_15 : vector<1x2000x128xf32> to vector<2000x128xf32>
    %get3A_17 = arith.constant 0 : index
    %get3A_18 = arith.constant 0 : index
    %get3A_19 = arith.constant 0 : index
    %get3A_20 = vector.load %arg2[%get3A_17, %get3A_18, %get3A_19] : memref<1x2000x128xf32, #tpu.memory_space<vmem>>, vector<1x2000x128xf32>
    %get3A_21 = vector.shape_cast %get3A_20 : vector<1x2000x128xf32> to vector<2000x128xf32>
    %add3A_22 = arith.addf %get3A_16, %get3A_21 : vector<2000x128xf32>
    %mul3A = vector.broadcast %rsqrt3A : vector<2000x1xf32> to vector<2000x128xf32>
    %mul3A_23 = arith.mulf %mul3A, %add3A_22 : vector<2000x128xf32>
    %mul3A_24 = arith.mulf %rsqrt3A, %rsqrt3A : vector<2000x1xf32>
    %get3A_25 = arith.constant 0 : index
    %get3A_26 = arith.constant 0 : index
    %get3A_27 = vector.load %arg5[%get3A_25, %get3A_26] : memref<2000x128xf32, #tpu.memory_space<vmem>>, vector<2000x128xf32>
    %mul3A_28 = vector.broadcast %mul3A_24 : vector<2000x1xf32> to vector<2000x128xf32>
    %mul3A_29 = arith.mulf %mul3A_28, %get3A_27 : vector<2000x128xf32>
    %add3A_30 = arith.addf %mul3A_23, %mul3A_29 : vector<2000x128xf32>
    %get3A_31 = arith.constant 0 : index
    %get3A_32 = arith.constant 0 : index
    %get3A_33 = vector.load %arg6[%get3A_31, %get3A_32] : memref<2000x4xf32, #tpu.memory_space<vmem>>, vector<2000x4xf32>
    %get3A_34 = arith.constant 0 : index
    %get3A_35 = arith.constant 0 : index
    %get3A_36 = vector.load %arg9[%get3A_34, %get3A_35] : memref<3x4xf32, #tpu.memory_space<vmem>>, vector<3x4xf32>
    %dot_general3A = arith.constant dense<0.000000e+00> : vector<2000x3xf32>
    %dot_general3A_37 = tpu.matmul %get3A_33, %get3A_36, %dot_general3A {dimension_numbers = #tpu.dot_dimension_numbers<[1], [1], [0], [0], [0, 0, 1, 0], [], []>, precision = #tpu.contract_precision<fp32>, transpose_lhs_hint = false} : vector<2000x4xf32>, vector<3x4xf32>, vector<2000x3xf32> -> vector<2000x3xf32>
    %mul3A_38 = arith.constant 9.900990e-03 : f32
    %mul3A_39 = vector.broadcast %mul3A_38 : f32 to vector<2000x3xf32>
    %mul3A_40 = arith.mulf %dot_general3A_37, %mul3A_39 : vector<2000x3xf32>
    %reduce_max3A = arith.constant dense<0xFF800000> : vector<2000xf32>
    %reduce_max3A_41 = vector.multi_reduction <maximumf>, %mul3A_40, %reduce_max3A [1] : vector<2000x3xf32> to vector<2000xf32>
    %broadcast_in_dim3A = vector.shape_cast %reduce_max3A_41 : vector<2000xf32> to vector<2000x1xf32>
    %sub3A = vector.broadcast %broadcast_in_dim3A : vector<2000x1xf32> to vector<2000x3xf32>
    %sub3A_42 = arith.subf %mul3A_40, %sub3A : vector<2000x3xf32>
    %exp3A = math.exp %sub3A_42 : vector<2000x3xf32>
    %reduce_sum3A = arith.constant dense<0.000000e+00> : vector<2000xf32>
    %reduce_sum3A_43 = vector.multi_reduction <add>, %exp3A, %reduce_sum3A [1] : vector<2000x3xf32> to vector<2000xf32>
    %broadcast_in_dim3A_44 = vector.shape_cast %reduce_sum3A_43 : vector<2000xf32> to vector<2000x1xf32>
    %div3A = vector.broadcast %broadcast_in_dim3A_44 : vector<2000x1xf32> to vector<2000x3xf32>
    %div3A_45 = arith.divf %exp3A, %div3A : vector<2000x3xf32>
    %get3A_46 = arith.constant 0 : index
    %get3A_47 = arith.constant 0 : index
    %get3A_48 = vector.load %arg7[%get3A_46, %get3A_47] : memref<128x384xf32, #tpu.memory_space<vmem>>, vector<128x384xf32>
    %dot_general3A_49 = arith.constant dense<0.000000e+00> : vector<2000x384xf32>
    %dot_general3A_50 = tpu.matmul %add3A_30, %get3A_48, %dot_general3A_49 {dimension_numbers = #tpu.dot_dimension_numbers<[1], [0], [0], [1], [0, 0, 1, 1], [], []>, precision = #tpu.contract_precision<fp32>, transpose_lhs_hint = false} : vector<2000x128xf32>, vector<128x384xf32>, vector<2000x384xf32> -> vector<2000x384xf32>
    %get3A_51 = arith.constant 0 : index
    %get3A_52 = vector.load %arg8[%get3A_51] : memref<384xf32, #tpu.memory_space<vmem>>, vector<384xf32>
    %broadcast_in_dim3A_53 = vector.shape_cast %get3A_52 : vector<384xf32> to vector<1x384xf32>
    %add3A_54 = vector.broadcast %broadcast_in_dim3A_53 : vector<1x384xf32> to vector<2000x384xf32>
    %add3A_55 = arith.addf %dot_general3A_50, %add3A_54 : vector<2000x384xf32>
    %max3A = arith.constant 0.000000e+00 : f32
    %max3A_56 = vector.broadcast %max3A : f32 to vector<2000x384xf32>
    %max3A_57 = arith.maximumf %add3A_55, %max3A_56 : vector<2000x384xf32>
    %slice3A = vector.extract_strided_slice %div3A_45 {offsets = [0, 0], sizes = [2000, 1], strides = [1, 1]} : vector<2000x3xf32> to vector<2000x1xf32>
    %squeeze3A = vector.shape_cast %slice3A : vector<2000x1xf32> to vector<2000xf32>
    %broadcast_in_dim3A_58 = vector.shape_cast %squeeze3A : vector<2000xf32> to vector<2000x1xf32>
    %slice3A_59 = vector.extract_strided_slice %max3A_57 {offsets = [0, 0], sizes = [2000, 128], strides = [1, 1]} : vector<2000x384xf32> to vector<2000x128xf32>
    %mul3A_60 = vector.broadcast %broadcast_in_dim3A_58 : vector<2000x1xf32> to vector<2000x128xf32>
    %mul3A_61 = arith.mulf %mul3A_60, %slice3A_59 : vector<2000x128xf32>
    %slice3A_62 = vector.extract_strided_slice %div3A_45 {offsets = [0, 1], sizes = [2000, 1], strides = [1, 1]} : vector<2000x3xf32> to vector<2000x1xf32>
    %squeeze3A_63 = vector.shape_cast %slice3A_62 : vector<2000x1xf32> to vector<2000xf32>
    %broadcast_in_dim3A_64 = vector.shape_cast %squeeze3A_63 : vector<2000xf32> to vector<2000x1xf32>
    %slice3A_65 = vector.extract_strided_slice %max3A_57 {offsets = [0, 128], sizes = [2000, 128], strides = [1, 1]} : vector<2000x384xf32> to vector<2000x128xf32>
    %mul3A_66 = vector.broadcast %broadcast_in_dim3A_64 : vector<2000x1xf32> to vector<2000x128xf32>
    %mul3A_67 = arith.mulf %mul3A_66, %slice3A_65 : vector<2000x128xf32>
    %add3A_68 = arith.addf %mul3A_61, %mul3A_67 : vector<2000x128xf32>
    %slice3A_69 = vector.extract_strided_slice %div3A_45 {offsets = [0, 2], sizes = [2000, 1], strides = [1, 1]} : vector<2000x3xf32> to vector<2000x1xf32>
    %squeeze3A_70 = vector.shape_cast %slice3A_69 : vector<2000x1xf32> to vector<2000xf32>
    %broadcast_in_dim3A_71 = vector.shape_cast %squeeze3A_70 : vector<2000xf32> to vector<2000x1xf32>
    %slice3A_72 = vector.extract_strided_slice %max3A_57 {offsets = [0, 256], sizes = [2000, 128], strides = [1, 1]} : vector<2000x384xf32> to vector<2000x128xf32>
    %mul3A_73 = vector.broadcast %broadcast_in_dim3A_71 : vector<2000x1xf32> to vector<2000x128xf32>
    %mul3A_74 = arith.mulf %mul3A_73, %slice3A_72 : vector<2000x128xf32>
    %add3A_75 = arith.addf %add3A_68, %mul3A_74 : vector<2000x128xf32>
    %swap3A = arith.constant 0 : index
    %swap3A_76 = arith.constant 0 : index
    %swap3A_77 = vector.load %arg10[%swap3A, %swap3A_76] : memref<2000x128xf32, #tpu.memory_space<vmem>>, vector<2000x128xf32>
    tpu.vector_store %arg10[%swap3A, %swap3A_76], %add3A_75 {strides = array<i32>} : memref<2000x128xf32, #tpu.memory_space<vmem>>, vector<2000x128xf32>,
    %mul3A_78 = vector.broadcast %rsqrt3A : vector<2000x1xf32> to vector<2000x128xf32>
    %mul3A_79 = arith.mulf %mul3A_78, %add3A_75 : vector<2000x128xf32>
    %swap3A_80 = arith.constant 0 : index
    %swap3A_81 = arith.constant 0 : index
    %swap3A_82 = vector.load %arg11[%swap3A_80, %swap3A_81] : memref<2000x128xf32, #tpu.memory_space<vmem>>, vector<2000x128xf32>
    tpu.vector_store %arg11[%swap3A_80, %swap3A_81], %mul3A_79 {strides = array<i32>} : memref<2000x128xf32, #tpu.memory_space<vmem>>, vector<2000x128xf32>,
    return
  }
  func.func @transform_0(%arg0: i32) -> (i32, i32, i32) {
    %c0_i32 = arith.constant 0 : i32
    %c0_i32_0 = arith.constant 0 : i32
    %c0_i32_1 = arith.constant 0 : i32
    return %c0_i32, %arg0, %c0_i32_0 : i32, i32, i32
  }
  func.func @transform_1(%arg0: i32) -> (i32, i32, i32) {
    %c1_i32 = arith.constant 1 : i32
    %c0_i32 = arith.constant 0 : i32
    %c0_i32_0 = arith.constant 0 : i32
    return %c1_i32, %arg0, %c0_i32 : i32, i32, i32
  }
  func.func @transform_2(%arg0: i32) -> (i32, i32, i32) {
    %c0_i32 = arith.constant 0 : i32
    %c0_i32_0 = arith.constant 0 : i32
    %c0_i32_1 = arith.constant 0 : i32
    return %c0_i32, %arg0, %c0_i32_0 : i32, i32, i32
  }
  func.func @transform_3(%arg0: i32) -> (i32, i32, i32) {
    %c1_i32 = arith.constant 1 : i32
    %c0_i32 = arith.constant 0 : i32
    %c0_i32_0 = arith.constant 0 : i32
    return %c1_i32, %arg0, %c0_i32 : i32, i32, i32
  }
  func.func @transform_4(%arg0: i32) -> (i32, i32) {
    %c0_i32 = arith.constant 0 : i32
    %c0_i32_0 = arith.constant 0 : i32
    return %arg0, %c0_i32 : i32, i32
  }
  func.func @transform_5(%arg0: i32) -> (i32, i32) {
    %c0_i32 = arith.constant 0 : i32
    %c0_i32_0 = arith.constant 0 : i32
    return %arg0, %c0_i32 : i32, i32
  }
  func.func @transform_6(%arg0: i32) -> (i32, i32) {
    %c0_i32 = arith.constant 0 : i32
    %c0_i32_0 = arith.constant 0 : i32
    %c0_i32_1 = arith.constant 0 : i32
    return %c0_i32, %c0_i32_0 : i32, i32
  }
  func.func @transform_7(%arg0: i32) -> i32 {
    %c0_i32 = arith.constant 0 : i32
    %c0_i32_0 = arith.constant 0 : i32
    return %c0_i32 : i32
  }
  func.func @transform_8(%arg0: i32) -> (i32, i32) {
    %c0_i32 = arith.constant 0 : i32
    %c0_i32_0 = arith.constant 0 : i32
    %c0_i32_1 = arith.constant 0 : i32
    return %c0_i32, %c0_i32_0 : i32, i32
  }
  func.func @transform_9(%arg0: i32) -> (i32, i32) {
    %c0_i32 = arith.constant 0 : i32
    %c0_i32_0 = arith.constant 0 : i32
    return %arg0, %c0_i32 : i32, i32
  }
  func.func @transform_10(%arg0: i32) -> (i32, i32) {
    %c0_i32 = arith.constant 0 : i32
    %c0_i32_0 = arith.constant 0 : i32
    return %arg0, %c0_i32 : i32, i32
  }
}

module attributes {stable_mosaic.version = 14 : i64} {
  func.func @_tc_final_body(%arg0: i32, %arg1: memref<1x2000x128xf32, #tpu.memory_space<vmem>>, %arg2: memref<1x2000x128xf32, #tpu.memory_space<vmem>>, %arg3: memref<1x2000x128xf32, #tpu.memory_space<vmem>>, %arg4: memref<1x2000x128xf32, #tpu.memory_space<vmem>>, %arg5: memref<2000x128xf32, #tpu.memory_space<vmem>>, %arg6: memref<2000x4xf32, #tpu.memory_space<vmem>>, %arg7: memref<128x384xf32, #tpu.memory_space<vmem>>, %arg8: memref<384xf32, #tpu.memory_space<vmem>>, %arg9: memref<3x4xf32, #tpu.memory_space<vmem>>, %arg10: memref<128x128xf32, #tpu.memory_space<vmem>>, %arg11: memref<128xf32, #tpu.memory_space<vmem>>, %arg12: memref<2000x128xf32, #tpu.memory_space<vmem>>) attributes {dimension_semantics = [#tpu.dimension_semantics<arbitrary>], iteration_bounds = array<i64: 5>, scalar_prefetch = 0 : i64, scratch_operands = 0 : i64, tpu.core_type = #tpu.core_type<tc>, window_params = [{transform_indices = @transform_0, window_bounds = array<i64: 1, 2000, 128>}, {transform_indices = @transform_1, window_bounds = array<i64: 1, 2000, 128>}, {transform_indices = @transform_2, window_bounds = array<i64: 1, 2000, 128>}, {transform_indices = @transform_3, window_bounds = array<i64: 1, 2000, 128>}, {transform_indices = @transform_4, window_bounds = array<i64: 2000, 128>}, {transform_indices = @transform_5, window_bounds = array<i64: 2000, 4>}, {pipeline_mode = #tpu.pipeline_mode<synchronous>, transform_indices = @transform_6, window_bounds = array<i64: 128, 384>}, {pipeline_mode = #tpu.pipeline_mode<synchronous>, transform_indices = @transform_7, window_bounds = array<i64: 384>}, {pipeline_mode = #tpu.pipeline_mode<synchronous>, transform_indices = @transform_8, window_bounds = array<i64: 3, 4>}, {pipeline_mode = #tpu.pipeline_mode<synchronous>, transform_indices = @transform_9, window_bounds = array<i64: 128, 128>}, {pipeline_mode = #tpu.pipeline_mode<synchronous>, transform_indices = @transform_10, window_bounds = array<i64: 128>}, {transform_indices = @transform_11, window_bounds = array<i64: 2000, 128>}]} {
    %get3A = arith.constant 0 : index
    %get3A_0 = arith.constant 0 : index
    %get3A_1 = arith.constant 0 : index
    %get3A_2 = vector.load %arg3[%get3A, %get3A_0, %get3A_1] : memref<1x2000x128xf32, #tpu.memory_space<vmem>>, vector<1x2000x1xf32>
    %get3A_3 = vector.shape_cast %get3A_2 : vector<1x2000x1xf32> to vector<2000x1xf32>
    %get3A_4 = arith.constant 0 : index
    %get3A_5 = arith.constant 0 : index
    %get3A_6 = arith.constant 0 : index
    %get3A_7 = vector.load %arg4[%get3A_4, %get3A_5, %get3A_6] : memref<1x2000x128xf32, #tpu.memory_space<vmem>>, vector<1x2000x1xf32>
    %get3A_8 = vector.shape_cast %get3A_7 : vector<1x2000x1xf32> to vector<2000x1xf32>
    %add3A = arith.addf %get3A_3, %get3A_8 : vector<2000x1xf32>
    %add3A_9 = arith.constant 1.000000e+00 : f32
    %add3A_10 = vector.broadcast %add3A_9 : f32 to vector<2000x1xf32>
    %add3A_11 = arith.addf %add3A, %add3A_10 : vector<2000x1xf32>
    %rsqrt3A = math.rsqrt %add3A_11 : vector<2000x1xf32>
    %get3A_12 = arith.constant 0 : index
    %get3A_13 = arith.constant 0 : index
    %get3A_14 = arith.constant 0 : index
    %get3A_15 = vector.load %arg1[%get3A_12, %get3A_13, %get3A_14] : memref<1x2000x128xf32, #tpu.memory_space<vmem>>, vector<1x2000x128xf32>
    %get3A_16 = vector.shape_cast %get3A_15 : vector<1x2000x128xf32> to vector<2000x128xf32>
    %get3A_17 = arith.constant 0 : index
    %get3A_18 = arith.constant 0 : index
    %get3A_19 = arith.constant 0 : index
    %get3A_20 = vector.load %arg2[%get3A_17, %get3A_18, %get3A_19] : memref<1x2000x128xf32, #tpu.memory_space<vmem>>, vector<1x2000x128xf32>
    %get3A_21 = vector.shape_cast %get3A_20 : vector<1x2000x128xf32> to vector<2000x128xf32>
    %add3A_22 = arith.addf %get3A_16, %get3A_21 : vector<2000x128xf32>
    %mul3A = vector.broadcast %rsqrt3A : vector<2000x1xf32> to vector<2000x128xf32>
    %mul3A_23 = arith.mulf %mul3A, %add3A_22 : vector<2000x128xf32>
    %mul3A_24 = arith.mulf %rsqrt3A, %rsqrt3A : vector<2000x1xf32>
    %get3A_25 = arith.constant 0 : index
    %get3A_26 = arith.constant 0 : index
    %get3A_27 = vector.load %arg5[%get3A_25, %get3A_26] : memref<2000x128xf32, #tpu.memory_space<vmem>>, vector<2000x128xf32>
    %mul3A_28 = vector.broadcast %mul3A_24 : vector<2000x1xf32> to vector<2000x128xf32>
    %mul3A_29 = arith.mulf %mul3A_28, %get3A_27 : vector<2000x128xf32>
    %add3A_30 = arith.addf %mul3A_23, %mul3A_29 : vector<2000x128xf32>
    %get3A_31 = arith.constant 0 : index
    %get3A_32 = arith.constant 0 : index
    %get3A_33 = vector.load %arg6[%get3A_31, %get3A_32] : memref<2000x4xf32, #tpu.memory_space<vmem>>, vector<2000x4xf32>
    %get3A_34 = arith.constant 0 : index
    %get3A_35 = arith.constant 0 : index
    %get3A_36 = vector.load %arg9[%get3A_34, %get3A_35] : memref<3x4xf32, #tpu.memory_space<vmem>>, vector<3x4xf32>
    %dot_general3A = arith.constant dense<0.000000e+00> : vector<2000x3xf32>
    %dot_general3A_37 = tpu.matmul %get3A_33, %get3A_36, %dot_general3A {dimension_numbers = #tpu.dot_dimension_numbers<[1], [1], [0], [0], [0, 0, 1, 0], [], []>, precision = #tpu.contract_precision<fp32>, transpose_lhs_hint = false} : vector<2000x4xf32>, vector<3x4xf32>, vector<2000x3xf32> -> vector<2000x3xf32>
    %mul3A_38 = arith.constant 9.900990e-03 : f32
    %mul3A_39 = vector.broadcast %mul3A_38 : f32 to vector<2000x3xf32>
    %mul3A_40 = arith.mulf %dot_general3A_37, %mul3A_39 : vector<2000x3xf32>
    %reduce_max3A = arith.constant dense<0xFF800000> : vector<2000xf32>
    %reduce_max3A_41 = vector.multi_reduction <maximumf>, %mul3A_40, %reduce_max3A [1] : vector<2000x3xf32> to vector<2000xf32>
    %broadcast_in_dim3A = vector.shape_cast %reduce_max3A_41 : vector<2000xf32> to vector<2000x1xf32>
    %sub3A = vector.broadcast %broadcast_in_dim3A : vector<2000x1xf32> to vector<2000x3xf32>
    %sub3A_42 = arith.subf %mul3A_40, %sub3A : vector<2000x3xf32>
    %exp3A = math.exp %sub3A_42 : vector<2000x3xf32>
    %reduce_sum3A = arith.constant dense<0.000000e+00> : vector<2000xf32>
    %reduce_sum3A_43 = vector.multi_reduction <add>, %exp3A, %reduce_sum3A [1] : vector<2000x3xf32> to vector<2000xf32>
    %broadcast_in_dim3A_44 = vector.shape_cast %reduce_sum3A_43 : vector<2000xf32> to vector<2000x1xf32>
    %div3A = vector.broadcast %broadcast_in_dim3A_44 : vector<2000x1xf32> to vector<2000x3xf32>
    %div3A_45 = arith.divf %exp3A, %div3A : vector<2000x3xf32>
    %get3A_46 = arith.constant 0 : index
    %get3A_47 = arith.constant 0 : index
    %get3A_48 = vector.load %arg7[%get3A_46, %get3A_47] : memref<128x384xf32, #tpu.memory_space<vmem>>, vector<128x384xf32>
    %dot_general3A_49 = arith.constant dense<0.000000e+00> : vector<2000x384xf32>
    %dot_general3A_50 = tpu.matmul %add3A_30, %get3A_48, %dot_general3A_49 {dimension_numbers = #tpu.dot_dimension_numbers<[1], [0], [0], [1], [0, 0, 1, 1], [], []>, precision = #tpu.contract_precision<fp32>, transpose_lhs_hint = false} : vector<2000x128xf32>, vector<128x384xf32>, vector<2000x384xf32> -> vector<2000x384xf32>
    %get3A_51 = arith.constant 0 : index
    %get3A_52 = vector.load %arg8[%get3A_51] : memref<384xf32, #tpu.memory_space<vmem>>, vector<384xf32>
    %broadcast_in_dim3A_53 = vector.shape_cast %get3A_52 : vector<384xf32> to vector<1x384xf32>
    %add3A_54 = vector.broadcast %broadcast_in_dim3A_53 : vector<1x384xf32> to vector<2000x384xf32>
    %add3A_55 = arith.addf %dot_general3A_50, %add3A_54 : vector<2000x384xf32>
    %max3A = arith.constant 0.000000e+00 : f32
    %max3A_56 = vector.broadcast %max3A : f32 to vector<2000x384xf32>
    %max3A_57 = arith.maximumf %add3A_55, %max3A_56 : vector<2000x384xf32>
    %slice3A = vector.extract_strided_slice %div3A_45 {offsets = [0, 0], sizes = [2000, 1], strides = [1, 1]} : vector<2000x3xf32> to vector<2000x1xf32>
    %squeeze3A = vector.shape_cast %slice3A : vector<2000x1xf32> to vector<2000xf32>
    %broadcast_in_dim3A_58 = vector.shape_cast %squeeze3A : vector<2000xf32> to vector<2000x1xf32>
    %slice3A_59 = vector.extract_strided_slice %max3A_57 {offsets = [0, 0], sizes = [2000, 128], strides = [1, 1]} : vector<2000x384xf32> to vector<2000x128xf32>
    %mul3A_60 = vector.broadcast %broadcast_in_dim3A_58 : vector<2000x1xf32> to vector<2000x128xf32>
    %mul3A_61 = arith.mulf %mul3A_60, %slice3A_59 : vector<2000x128xf32>
    %slice3A_62 = vector.extract_strided_slice %div3A_45 {offsets = [0, 1], sizes = [2000, 1], strides = [1, 1]} : vector<2000x3xf32> to vector<2000x1xf32>
    %squeeze3A_63 = vector.shape_cast %slice3A_62 : vector<2000x1xf32> to vector<2000xf32>
    %broadcast_in_dim3A_64 = vector.shape_cast %squeeze3A_63 : vector<2000xf32> to vector<2000x1xf32>
    %slice3A_65 = vector.extract_strided_slice %max3A_57 {offsets = [0, 128], sizes = [2000, 128], strides = [1, 1]} : vector<2000x384xf32> to vector<2000x128xf32>
    %mul3A_66 = vector.broadcast %broadcast_in_dim3A_64 : vector<2000x1xf32> to vector<2000x128xf32>
    %mul3A_67 = arith.mulf %mul3A_66, %slice3A_65 : vector<2000x128xf32>
    %add3A_68 = arith.addf %mul3A_61, %mul3A_67 : vector<2000x128xf32>
    %slice3A_69 = vector.extract_strided_slice %div3A_45 {offsets = [0, 2], sizes = [2000, 1], strides = [1, 1]} : vector<2000x3xf32> to vector<2000x1xf32>
    %squeeze3A_70 = vector.shape_cast %slice3A_69 : vector<2000x1xf32> to vector<2000xf32>
    %broadcast_in_dim3A_71 = vector.shape_cast %squeeze3A_70 : vector<2000xf32> to vector<2000x1xf32>
    %slice3A_72 = vector.extract_strided_slice %max3A_57 {offsets = [0, 256], sizes = [2000, 128], strides = [1, 1]} : vector<2000x384xf32> to vector<2000x128xf32>
    %mul3A_73 = vector.broadcast %broadcast_in_dim3A_71 : vector<2000x1xf32> to vector<2000x128xf32>
    %mul3A_74 = arith.mulf %mul3A_73, %slice3A_72 : vector<2000x128xf32>
    %add3A_75 = arith.addf %add3A_68, %mul3A_74 : vector<2000x128xf32>
    %get3A_76 = arith.constant 0 : index
    %get3A_77 = arith.constant 0 : index
    %get3A_78 = vector.load %arg10[%get3A_76, %get3A_77] : memref<128x128xf32, #tpu.memory_space<vmem>>, vector<128x128xf32>
    %dot_general3A_79 = arith.constant dense<0.000000e+00> : vector<2000x128xf32>
    %dot_general3A_80 = tpu.matmul %add3A_75, %get3A_78, %dot_general3A_79 {dimension_numbers = #tpu.dot_dimension_numbers<[1], [1], [0], [0], [0, 0, 1, 0], [], []>, precision = #tpu.contract_precision<fp32>, transpose_lhs_hint = false} : vector<2000x128xf32>, vector<128x128xf32>, vector<2000x128xf32> -> vector<2000x128xf32>
    %get3A_81 = arith.constant 0 : index
    %get3A_82 = vector.load %arg11[%get3A_81] : memref<128xf32, #tpu.memory_space<vmem>>, vector<128xf32>
    %broadcast_in_dim3A_83 = vector.shape_cast %get3A_82 : vector<128xf32> to vector<1x128xf32>
    %add3A_84 = vector.broadcast %broadcast_in_dim3A_83 : vector<1x128xf32> to vector<2000x128xf32>
    %add3A_85 = arith.addf %dot_general3A_80, %add3A_84 : vector<2000x128xf32>
    %swap3A = arith.constant 0 : index
    %swap3A_86 = arith.constant 0 : index
    %swap3A_87 = vector.load %arg12[%swap3A, %swap3A_86] : memref<2000x128xf32, #tpu.memory_space<vmem>>, vector<2000x128xf32>
    tpu.vector_store %arg12[%swap3A, %swap3A_86], %add3A_85 {strides = array<i32>} : memref<2000x128xf32, #tpu.memory_space<vmem>>, vector<2000x128xf32>,
    return
  }
  func.func @transform_0(%arg0: i32) -> (i32, i32, i32) {
    %c0_i32 = arith.constant 0 : i32
    %c0_i32_0 = arith.constant 0 : i32
    %c0_i32_1 = arith.constant 0 : i32
    return %c0_i32, %arg0, %c0_i32_0 : i32, i32, i32
  }
  func.func @transform_1(%arg0: i32) -> (i32, i32, i32) {
    %c1_i32 = arith.constant 1 : i32
    %c0_i32 = arith.constant 0 : i32
    %c0_i32_0 = arith.constant 0 : i32
    return %c1_i32, %arg0, %c0_i32 : i32, i32, i32
  }
  func.func @transform_2(%arg0: i32) -> (i32, i32, i32) {
    %c0_i32 = arith.constant 0 : i32
    %c0_i32_0 = arith.constant 0 : i32
    %c0_i32_1 = arith.constant 0 : i32
    return %c0_i32, %arg0, %c0_i32_0 : i32, i32, i32
  }
  func.func @transform_3(%arg0: i32) -> (i32, i32, i32) {
    %c1_i32 = arith.constant 1 : i32
    %c0_i32 = arith.constant 0 : i32
    %c0_i32_0 = arith.constant 0 : i32
    return %c1_i32, %arg0, %c0_i32 : i32, i32, i32
  }
  func.func @transform_4(%arg0: i32) -> (i32, i32) {
    %c0_i32 = arith.constant 0 : i32
    %c0_i32_0 = arith.constant 0 : i32
    return %arg0, %c0_i32 : i32, i32
  }
  func.func @transform_5(%arg0: i32) -> (i32, i32) {
    %c0_i32 = arith.constant 0 : i32
    %c0_i32_0 = arith.constant 0 : i32
    return %arg0, %c0_i32 : i32, i32
  }
  func.func @transform_6(%arg0: i32) -> (i32, i32) {
    %c0_i32 = arith.constant 0 : i32
    %c0_i32_0 = arith.constant 0 : i32
    %c0_i32_1 = arith.constant 0 : i32
    return %c0_i32, %c0_i32_0 : i32, i32
  }
  func.func @transform_7(%arg0: i32) -> i32 {
    %c0_i32 = arith.constant 0 : i32
    %c0_i32_0 = arith.constant 0 : i32
    return %c0_i32 : i32
  }
  func.func @transform_8(%arg0: i32) -> (i32, i32) {
    %c0_i32 = arith.constant 0 : i32
    %c0_i32_0 = arith.constant 0 : i32
    %c0_i32_1 = arith.constant 0 : i32
    return %c0_i32, %c0_i32_0 : i32, i32
  }
  func.func @transform_9(%arg0: i32) -> (i32, i32) {
    %c0_i32 = arith.constant 0 : i32
    %c0_i32_0 = arith.constant 0 : i32
    %c0_i32_1 = arith.constant 0 : i32
    return %c0_i32, %c0_i32_0 : i32, i32
  }
  func.func @transform_10(%arg0: i32) -> i32 {
    %c0_i32 = arith.constant 0 : i32
    %c0_i32_0 = arith.constant 0 : i32
    return %c0_i32 : i32
  }
  func.func @transform_11(%arg0: i32) -> (i32, i32) {
    %c0_i32 = arith.constant 0 : i32
    %c0_i32_0 = arith.constant 0 : i32
    return %arg0, %c0_i32 : i32, i32
  }
}

</mosaic_0001>

<sc_bundles>
// kernel: kernel.11.cloned.1.call-start
scs
__scs_entry_jumppad:
0x0: {  	(pc) =	sbr.rel $0x88, $3  }
0x1: {  	(tag) =	ssettag $0x0;
	lr =	simm.s32 $0x1  }
0x2: {  	[smem:$0x3F96] =	sst lr;
	_ =	strace $0xD0000000  }
0x3: {  	_ = 	snop  }
0x4: {  	_ = 	snop  }
0x5: {  	_ = 	snop  }
0x6: {  	_ = 	snop  }
0x7: {  	_ = 	snop  }
__scs_overlays_trampoline_lowered:
0x8: {  	[smem:$0x3FA5] =	sst s0  }
0x9: {  	[smem:$0x3FA6] =	sst s1  }
0xa: {  	[smem:$0x3FA7] =	sst s2  }
0xb: {  	[smem:$0x3FA8] =	sst s3  }
0xc: {  	[smem:$0x3FA9] =	sst s4  }
0xd: {  	[smem:$0x3FAA] =	sst s5  }
0xe: {  	[smem:$0x3FAB] =	sst s6  }
0xf: {  	[smem:$0x3FAC] =	sst s7  }
0x10: {  	[smem:$0x3FAD] =	sst s8  }
0x11: {  	[smem:$0x3FAE] =	sst s9;
	s0 =	simm.s32 @!p0 $0x0  }
0x12: {  	s1 =	sld [smem:$0x3F94];
	s0 =	simm.s32 @p0 $0x1  }
0x13: {  	[smem:$0x3FAF] =	sst s0;
	s0 =	simm.s32 @!p1 $0x0  }
0x14: {  	s2 =	sld [smem:$0x3F93];
	s0 =	simm.s32 @p1 $0x1  }
0x15: {  	[smem:$0x3FB0] =	sst s0;
	s0 =	simm.s32 @!p2 $0x0  }
0x16: {  	s3 =	sld [smem:$0x3FDB];
	s0 =	simm.s32 @p2 $0x1  }
0x17: {  	s4 =	simm.s32 $0x1BF5;
	[smem:$0x3FB2] =	sst s0  }
0x18: {  	s0 =	sld [smem:$0x3F95];
	_ =	swait.ge [sflag:s4], $0x0  }
0x19: {  	s7 =	sld [smem:$0x3F96]  }
0x1a: {  	s8 =	sadd.s32 $0xFFFFE003, lr  }
0x1b: {  	s9 =	sadd.s32 $0xFFFFFEF7, lr;
	s5 =	simm.s32 $0xFFFFFFFF;
	p2 =	slt.u32 s8, $0xFFFFF086  }
0x1c: {  	p1 =	slt.u32 s9, $0xF7A;
	s5 =	simm.s32 @!p2 $0x0  }
0x1d: {  	s5 =	simm.s32 @p1 $0x1;
	p0 =	seq.s32 s7, s2  }
0x1e: {  	s7 =	smul.u32 @!p0 $0xF7A, s2;
	p2 =	seq.s32 @!p0 s5, $0x0  }
0x1f: {  	s9 =	smul.u32 $0xF7A, s1;
	s8 =	simm.s32 @!p0 $0x1BF5;
	p2 =	por !p2, p0  }
0x20: {  	[sflag:s8] =	ssyncset.s32 @!p0 $0xFFFFF086;
	s6 =	sadd.s32 @!p0 s3, s7;
	s7 =	simm.s32 @!p0 $0x108  }
0x21: {  	s3 =	sadd.s32 s3, s9;
	s6 =	sadd.s32 @!p0 $0x88, s6;
	s7 =	simm.s32 @p2 $0x1082  }
0x22: {  	[simem:s7], [sflag:s8] =	dma.local @!p0 [hbm:s6], $0xF7A  }
0x23: {  	s9 =	sor.u32 $0xD0000000, s2;
	s6 =	simm.s32 $0x108;
	_ =	swait.ge @!p0 [sflag:s8], $0x0  }
0x24: {  	s3 =	sadd.s32 $0x88, s3;
	s6 =	simm.s32 @!p1 $0x1082;
	[sflag:s4] =	ssyncset.s32 $0xFFFFF086  }
0x25: {  	[simem:s6], [sflag:s4] =	dma.local [hbm:s3], $0xF7A  }
0x26: {  	[smem:$0x3F96] =	sst s1;
	(tag) =	ssettag s2;
	_ =	strace s9  }
0x27: {  	s1 =	sld [smem:$0x3FA6]  }
0x28: {  	s2 =	sld [smem:$0x3FA7]  }
0x29: {  	s4 =	sld [smem:$0x3FA9]  }
0x2a: {  	p0 =	seq.s32 s5, $0x0;
	s5 =	sld [smem:$0x3FAA]  }
0x2b: {  	s6 =	sld [smem:$0x3FAB]  }
0x2c: {  	s7 =	sld [smem:$0x3FAC]  }
0x2d: {  	s3 =	simm.s32 $0x108;
	s8 =	sld [smem:$0x3FAD]  }
0x2e: {  	s3 =	simm.s32 @!p0 $0x1082;
	s9 =	sld [smem:$0x3FAE]  }
0x2f: {  	lr =	sadd.s32 s0, s3;
	s0 =	sld [smem:$0x3FA5]  }
0x30: {  	s3 =	sld [smem:$0x3FA8]  }
0x31: {  	[smem:$0x3FB1] =	sst s10  }
0x32: {  	s10 =	sld [smem:$0x3FAF];
	_ =	sdelay $0x3  }
0x33: {  	p0 =	seq.s32 s10, $0x1;
	s10 =	sld [smem:$0x3FB1];
	_ =	sdelay $0x3  }
0x34: {  	[smem:$0x3FB1] =	sst s10  }
0x35: {  	s10 =	sld [smem:$0x3FB0];
	_ =	sdelay $0x3  }
0x36: {  	p1 =	seq.s32 s10, $0x1;
	s10 =	sld [smem:$0x3FB1];
	_ =	sdelay $0x3  }
0x37: {  	[smem:$0x3FB1] =	sst s10  }
0x38: {  	s10 =	sld [smem:$0x3FB2]  }
0x39: {  	_ = 	snop;
	(pc) =	sbr.ind lr, $3  }
0x3a: {  	_ = 	snop  }
0x3b: {  	_ = 	snop  }
0x3c: {  	p2 =	seq.s32 s10, $0x1;
	s10 =	sld [smem:$0x3FB1]  }
0x3d: {  	_ =	shalt  }
0x3e: {  	_ =	shalt  }
0x3f: {  	_ =	shalt  }
0x40: {  	_ =	shalt  }
0x41: {  	_ =	shalt  }
0x42: {  	_ =	shalt  }
0x43: {  	_ =	shalt  }
0x44: {  	_ =	shalt  }
0x45: {  	_ =	shalt  }
0x46: {  	_ =	shalt  }
0x47: {  	_ =	shalt  }
0x48: {  	_ =	shalt  }
0x49: {  	_ =	shalt  }
0x4a: {  	_ =	shalt  }
0x4b: {  	_ =	shalt  }
0x4c: {  	_ =	shalt  }
0x4d: {  	_ =	shalt  }
0x4e: {  	_ =	shalt  }
0x4f: {  	_ =	shalt  }
0x50: {  	_ =	shalt  }
0x51: {  	_ =	shalt  }
0x52: {  	_ =	shalt  }
0x53: {  	_ =	shalt  }
0x54: {  	_ =	shalt  }
0x55: {  	_ =	shalt  }
0x56: {  	_ =	shalt  }
0x57: {  	_ =	shalt  }
0x58: {  	_ =	shalt  }
0x59: {  	_ =	shalt  }
0x5a: {  	_ =	shalt  }
0x5b: {  	_ =	shalt  }
0x5c: {  	_ =	shalt  }
0x5d: {  	_ =	shalt  }
0x5e: {  	_ =	shalt  }
0x5f: {  	_ =	shalt  }
0x60: {  	_ =	shalt  }
0x61: {  	_ =	shalt  }
0x62: {  	_ =	shalt  }
0x63: {  	_ =	shalt  }
0x64: {  	_ =	shalt  }
0x65: {  	_ =	shalt  }
0x66: {  	_ =	shalt  }
0x67: {  	_ =	shalt  }
0x68: {  	_ =	shalt  }
0x69: {  	_ =	shalt  }
0x6a: {  	_ =	shalt  }
0x6b: {  	_ =	shalt  }
0x6c: {  	_ =	shalt  }
0x6d: {  	_ =	shalt  }
0x6e: {  	_ =	shalt  }
0x6f: {  	_ =	shalt  }
0x70: {  	_ =	shalt  }
0x71: {  	_ =	shalt  }
0x72: {  	_ =	shalt  }
0x73: {  	_ =	shalt  }
0x74: {  	_ =	shalt  }
0x75: {  	_ =	shalt  }
0x76: {  	_ =	shalt  }
0x77: {  	_ =	shalt  }
0x78: {  	_ =	shalt  }
0x79: {  	_ =	shalt  }
0x7a: {  	_ =	shalt  }
0x7b: {  	_ =	shalt  }
0x7c: {  	_ =	shalt  }
0x7d: {  	_ =	shalt  }
0x7e: {  	_ =	shalt  }
0x7f: {  	_ =	shalt  }
0x80: {  	_ =	shalt  }
0x81: {  	_ =	shalt  }
0x82: {  	_ =	shalt  }
0x83: {  	_ =	shalt  }
0x84: {  	_ =	shalt  }
0x85: {  	_ =	shalt  }
0x86: {  	_ =	shalt  }
0x87: {  	_ =	shalt  }
.Lfunc_end0:
.L_simem_size_0:
called_computation.1_lowered:
.L_overlay_start_0:
0x88: {  	s2 =	sld [smem:$0x3FD9]  }
0x89: {  	s3 =	sld [smem:$0x3FFE];
	_ =	sdelay $0x1  }
0x8a: {  	s1 =	srdreg.scid  }
0x8b: {  	s0 =	sand.u32 $0x1, s1  }
0x8c: {  	s17 =	sshll.u32 s0, $0xA;
	s2 =	sadd.s32 s3, s2  }
0x8d: {  	s2 =	sadd.s32 s2, s17  }
0x8e: {  	[smem:$0x3FBD] =	sst s2  }
0x8f: {  	_ = 	snop  }
0x90: {  	s2 =	sld [smem:$0x3FD0];
	(tm) =	ssettm $0x1  }
0x91: {  	s18 =	sld [smem:$0x3FFB];
	_ =	sdelay $0x3  }
0x92: {  	_ =	strace s18  }
0x93: {  	s3 =	sld [smem:$0x3FFC];
	_ =	sdelay $0x3  }
0x94: {  	_ =	strace s3  }
0x95: {  	s3 =	sld [smem:$0x3FFD];
	_ =	sdelay $0x3  }
0x96: {  	_ =	strace s3  }
0x97: {  	_ =	strace $0x8FFFFFFF  }
0x98: {  	s19 =	sld [smem:$0x3FDB];
	_ =	sdelay $0x1  }
0x99: {  	s4 =	simm.s32 $_scs_section_size  }
0x9a: {  	s5 =	simm.s32 $_size__tile_overlayer_lowered;
	s6 =	simm.s32 $_tile_overlayer_lowered  }
0x9b: {  	s22 =	simm.s32 $0x1BFF;
	s21 =	sshll.u32 s6, $0x1;
	s3 =	sadd.s32 s4, s19  }
0x9c: {  	s7 =	simm.s32 $0x0;
	s20 =	sshll.u32 s5, $0x1;
	s5 =	sadd.s32 s21, s3  }
0x9d: {  	[timem:s7], [sflag:s22] =	dma.local [hbm:s5], s20  }
0x9e: {  	_ =	swait.ge [sflag:s22], s20  }
0x9f: {  	s4 =	ssub.s32 $0x0, s20;
	[sflag:s22] =	ssyncset.done $0x0  }
0xa0: {  	[sflag:s22] =	ssyncadd.s32 s4;
	_ =	sdelay $0x1  }
0xa1: {  	s23 =	simm.s32 $0x1B8B  }
0xa2: {  	_ =	swait.ge [sflag:s23], $0x1  }
0xa3: {  	[sflag:s23] =	ssyncset.done $0x0  }
0xa4: {  	s25 =	simm.s32 $0x1B8E;
	s24 =	sld [smem:$0x3FFE];
	[sflag:s23] =	ssyncadd.s32 $0xFFFFFFFF  }
0xa5: {  	s26 =	simm.s32 $execute0_lowered;
	[smem:$0x3FD2] =	sst s25  }
0xa6: {  	s5 =	sshll.u32 s26, $0x1;
	_ =	strace $0x80000049;
	[dreg:$0x1] =	wrdreg $0xFFFFFFFF  }
0xa7: {  	s28 =	simm.s32 $_size_execute0_lowered;
	s3 =	sadd.s32 s3, s5;
	[dreg:$0x0] =	wrdreg $0x0  }
0xa8: {  	s5 =	sshll.u32 s28, $0x1;
	[dreg:$0x2] =	wrdreg s3  }
0xa9: {  	[dreg:$0x3] =	wrdreg s5  }
0xaa: {  	[dreg:$0x4] =	wrdreg $0xC0  }
0xab: {  	_ =	task [dreg:s7], $0x5FFFF  }
0xac: {  	[dreg:$0x1] =	wrdreg $0xFFFFFFFF  }
0xad: {  	[dreg:$0x0] =	wrdreg $0x60  }
0xae: {  	[dreg:$0x2] =	wrdreg s2  }
0xaf: {  	[dreg:$0x3] =	wrdreg s24  }
0xb0: {  	[dreg:$0x4] =	wrdreg $0x0  }
0xb1: {  	[dreg:$0x5] =	wrdreg $0x9  }
0xb2: {  	_ =	task.clear_ibuf [dreg:s7], $0x6FFFF;
	_ =	strace $0x90000049  }
0xb3: {  	s29 =	simm.s32 $0x9;
	_ =	strace $0x8000004B  }
0xb4: {  	_ =	swait.ge [sflag:s29], $0x1  }
0xb5: {  	[sflag:s29] =	ssyncadd.s32 $0xFFFFFFFF  }
0xb6: {  	_ =	strace $0x9000004B  }
0xb7: {  	_ =	sfence  }
0xb8: {  	s30 =	sld [smem:$0x0];
	_ =	sdelay $0x2  }
0xb9: {  	s31 =	sshll.u32 s1, $0xD;
	s1 =	sshrl.u32 s1, $0x2  }
0xba: {  	s3 =	sand.u32 $0x4000, s31;
	s1 =	sadd.s32 s1, s30  }
0xbb: {  	s0 =	sor.u32 s3, s0;
	s1 =	sshll.u32 s1, $0x11  }
0xbc: {  	s0 =	sor.u32 s1, s0  }
0xbd: {  	s0 =	sadd.s32 $0x8F2B, s0  }
0xbe: {  	[sflag:s0] =	ssyncadd.remote.s32 $0x1  }
0xbf: {  	_ =	sfence.sel $0xFFFF  }
0xc0: {  	[dreg:$0x0] =	wrdreg $0xFFFFFFFF;
	(pc) =	sbr.abs _section_cstart, $3  }
0xc1: {  	[dreg:$0x1] =	wrdreg $0xFFFFFFFF  }
0xc2: {  	_ =	task.clear_ibuf [dreg:s7], $0x2FFFF;
	_ =	strace $0x9FFFFFFF  }
0xc3: {  	(tm) =	ssettm $0x7FFFFFFF  }
tec
execute0_lowered:
.L_overlay_start_1:
0x0: {  	(tag) =	ssettag $0x1  }
0x1: {  	s1 =	rddreg [dreg:$0x0]  }
0x2: {  	s0 =	srdreg.scid;
	s2 =	rddreg [dreg:$0x1]  }
0x3: {  	s11 =	stileid.u32;
	s3 =	rddreg [dreg:$0x2]  }
0x4: {  	s29 =	simm.s32 $0x1A880;
	s30 =	simm.s32 $0x3;
	s28 =	simm.s32 $0x5  }
0x5: {  	s31 =	simm.s32 $0x0;
	s0 =	sand.u32 $0x1, s0;
	s8 =	smul.u32 $0x14000, s11  }
0x6: {  	s17 =	sadd.s32 $0xC600, s2;
	s19 =	smul.u32 $0x50000, s11;
	s9 =	sadd.s32 $0x16400, s2  }
0x7: {  	s4 =	sshll.u32 s0, $0x4;
	s7 =	smul.u32 $0x140000, s0;
	s18 =	ssub.s32 $0x2, s0  }
0x8: {  	s0 =	smul.u32 $0x4E0, s0;
	s5 =	sor.u32 s11, s4;
	s4 =	simm.s32 $0x0  }
0x9: {  	s20 =	sshrl.u32 s18, $0x1;
	s21 =	sshrl.u32 s19, $0x2;
	s6 =	smul.u32 $0x4E, s5  }
0xa: {  	s15 =	smin.u32 s5, $0x4;
	[smem:$0x7FF] =	sst s4;
	s14 =	sadd.s32 s8, s7  }
0xb: {  	s13 =	ssub.s32 s18, s20;
	s19 =	sadd.s32 s21, s3;
	p0 =	sgt.u32 s5, $0x3  }
0xc: {  	s20 =	simm.s32 $0x14000;
	s21 =	simm.s32 $0x1;
	_ =	strace $0x8000004A  }
0xd: {  	[dreg:$0x4] =	wrdreg s9;
	s13 =	smax.u32 s13, $0x1;
	s6 =	sadd.s32 s15, s6  }
0xe: {  	s19 =	sshrl.u32 s19, $0x3;
	s16 =	sshll.u32 s6, $0x4;
	s6 =	sshrl.u32 s14, $0x3  }
0xf: {  	s14 =	smul.u32 $0x4E, s11;
	s10 =	sadd.s32 s16, s2;
	s2 =	sadd.s32 s6, s2  }
0x10: {  	s6 =	sshll.u32 s11, $0x6;
	s9 =	sadd.s32 s17, s16;
	s18 =	sadd.s32 $0x10, s16  }
0x11: {  	s25 =	sadd.s32 $0x20, s16;
	s26 =	sadd.s32 $0x4D0, s16;
	s22 =	sor.u32 $0x1C01, s6  }
0x12: {  	s23 =	sadd.s32 $0x2800, s10;
	s10 =	sadd.s32 $0x2CE0, s10;
	s11 =	sadd.s32 $0x4E0, s9  }
0x13: {  	s12 =	sadd.s32 $0x68C00, s2;
	s24 =	sand.u32 $0x1FFFFFF0, s18;
	s0 =	sadd.s32 s14, s0  }
0x14: {  	s2 =	sand.u32 $0x1FFFFFF0, s25;
	s16 =	sand.u32 $0x1FFFFFF0, s26;
	[dreg:$0x5] =	wrdreg s22  }
0x15: {  	s25 =	simm.s32 $0x16880;
	s26 =	simm.s32 $0x16800;
	[dreg:$0x6] =	wrdreg s23  }
0x16: {  	s14 =	sadd.s32 s17, s24;
	s0 =	sadd.s32 s15, s0;
	s15 =	sadd.s32 s17, s2  }
0x17: {  	s16 =	sadd.s32 s17, s16;
	s22 =	simm.s32 $0x2;
	s0 =	sshll.u32 s0, $0x4  }
0x18: {  	s23 =	simm.s32 $0x16780;
	s24 =	simm.s32 $0x80;
	s0 =	sadd.s32 s17, s0  }
0x19: {  	s2 =	simm.s32 $0x4;
	s17 =	sadd.s32 $0x30, s0;
	s18 =	sadd.s32 $0x40, s0  }
.LBB2_1:
0x1a: {  	s0 =	rddreg [dreg:$0x4]  }
0x1b: {  	s5 =	rddreg [dreg:$0x5]  }
0x1c: {  	[spmem:s19], [sflag:s5] =	dma.local [hbm:s0], $0x2800  }
0x1d: {  	s0 =	rddreg [dreg:$0x6]  }
0x1e: {  	[tilespmem:s20], [sflag:$0x2] =	stream.linear.gather [hbm4b:s0+s4], $0x2700, $0x38;
	[tilespmem:$0x1E880] =	vst v63  }
0x1f: {  	s5 =	simm.s32 @!p0 $0x16700;
	s0 =	simm.s32 @!p0 $0x0  }
0x20: {  	[tilespmem:s5], [sflag:$0x5] =	stream.linear.gather @!p0 [hbm4b:s10+s0], $0x80, $0x38;
	[tilespmem:$0x1E880] =	vst v63  }
0x21: {  	s0 =	simm.s32 @!p0 $0x5  }
0x22: {  	_ =	swait.ge @!p0 [sflag:s0], $0x80  }
0x23: {  	[sflag:s0] =	ssyncset.done @!p0 $0x0  }
0x24: {  	[sflag:s0] =	ssyncadd.s32 @!p0 $0xFFFFFF80  }
0x25: {  	_ =	swait.ge [sflag:s21], $0x2800  }
0x26: {  	[sflag:s21] =	ssyncset.done $0x0  }
0x27: {  	[sflag:s21] =	ssyncadd.s32 $0xFFFFD800  }
0x28: {  	_ =	swait.ge [sflag:s22], $0x2700  }
0x29: {  	[sflag:s22] =	ssyncset.done $0x0  }
0x2a: {  	[sflag:s22] =	ssyncadd.s32 $0xFFFFD900  }
0x2b: {  	[bflag:$0x0] =	sbarrier.arrive $0xFFFF  }
0x2c: {  	[tilespmem:s23], [sflag:$0x1] =	stream.linear.gather [hbm4b:s9+s4], $0x80, $0x38;
	[tilespmem:$0x1E880] =	vst v63  }
0x2d: {  	_ = 	snop  }
0x2e: {  	[tilespmem:s25], [sflag:$0x1] =	stream.indirect.gather [hbm4b:s1+s24], $0x80, s20, s24, $0xb8;
	[tilespmem:$0x1E880] =	vst v63  }
0x2f: {  	_ = 	snop  }
0x30: {  	[tilespmem:s26], [sflag:$0x2] =	stream.linear.gather [hbm4b:s14+s4], $0x80, $0x38;
	[tilespmem:$0x1E880] =	vst v63  }
0x31: {  	s5 =	simm.s32 $0x14080  }
0x32: {  	[tilespmem:s29], [sflag:$0x2] =	stream.indirect.gather [hbm4b:s1+s24], $0x80, s5, s24, $0xb8;
	[tilespmem:$0x1E880] =	vst v63  }
0x33: {  	_ =	swait.ge [sflag:s21], $0x80  }
0x34: {  	[sflag:s21] =	ssyncset.done $0x0  }
0x35: {  	[sflag:s21] =	ssyncadd.s32 $0xFFFFFF80  }
0x36: {  	_ =	swait.ge [sflag:s21], $0x4000  }
0x37: {  	[sflag:s21] =	ssyncset.done $0x0  }
0x38: {  	[sflag:s21] =	ssyncadd.s32 $0xFFFFC000  }
0x39: {  	[spmem:s3] =	stream.indirect.scatter.add.f32 [tilespmem:s25], [sflag:$0x3], $0x80, s23, s24, $0xb8;
	[tilespmem:$0x1E880] =	vst v63  }
0x3a: {  	_ =	swait.ge [sflag:s30], $0x4000  }
0x3b: {  	[sflag:s30] =	ssyncset.done $0x0  }
0x3c: {  	[sflag:s30] =	ssyncadd.s32 $0xFFFFC000  }
0x3d: {  	[tilespmem:s23], [sflag:$0x1] =	stream.linear.gather [hbm4b:s15+s4], $0x80, $0x38;
	[tilespmem:$0x1E880] =	vst v63  }
0x3e: {  	s7 =	simm.s32 $0x14100  }
0x3f: {  	[tilespmem:s25], [sflag:$0x1] =	stream.indirect.gather [hbm4b:s1+s24], $0x80, s7, s24, $0xb8;
	[tilespmem:$0x1E880] =	vst v63  }
0x40: {  	_ =	swait.ge [sflag:s22], $0x80  }
0x41: {  	[sflag:s22] =	ssyncset.done $0x0  }
0x42: {  	[sflag:s22] =	ssyncadd.s32 $0xFFFFFF80  }
0x43: {  	_ =	swait.ge [sflag:s22], $0x4000  }
0x44: {  	[sflag:s22] =	ssyncset.done $0x0  }
0x45: {  	[sflag:s22] =	ssyncadd.s32 $0xFFFFC000  }
0x46: {  	[spmem:s3] =	stream.indirect.scatter.add.f32 [tilespmem:s29], [sflag:$0x4], $0x80, s26, s24, $0xb8;
	[tilespmem:$0x1E880] =	vst v63  }
0x47: {  	_ =	swait.ge [sflag:s2], $0x4000  }
0x48: {  	[sflag:s2] =	ssyncset.done $0x0  }
0x49: {  	s8 =	sadd.s32 $0x0, s17;
	[sflag:s2] =	ssyncadd.s32 $0xFFFFC000  }
0x4a: {  	[tilespmem:s26], [sflag:$0x2] =	stream.linear.gather [hbm4b:s8+s4], $0x80, $0x38;
	[tilespmem:$0x1E880] =	vst v63  }
0x4b: {  	s5 =	simm.s32 $0x14180  }
0x4c: {  	[tilespmem:s29], [sflag:$0x2] =	stream.indirect.gather [hbm4b:s1+s24], $0x80, s5, s24, $0xb8;
	[tilespmem:$0x1E880] =	vst v63  }
0x4d: {  	_ =	swait.ge [sflag:s21], $0x80  }
0x4e: {  	[sflag:s21] =	ssyncset.done $0x0  }
0x4f: {  	[sflag:s21] =	ssyncadd.s32 $0xFFFFFF80  }
0x50: {  	_ =	swait.ge [sflag:s21], $0x4000  }
0x51: {  	[sflag:s21] =	ssyncset.done $0x0  }
0x52: {  	[sflag:s21] =	ssyncadd.s32 $0xFFFFC000  }
0x53: {  	[spmem:s3] =	stream.indirect.scatter.add.f32 [tilespmem:s25], [sflag:$0x3], $0x80, s23, s24, $0xb8;
	[tilespmem:$0x1E880] =	vst v63  }
0x54: {  	_ =	swait.ge [sflag:s30], $0x4000  }
0x55: {  	[sflag:s30] =	ssyncset.done $0x0  }
0x56: {  	s7 =	sadd.s32 $0x0, s18;
	[sflag:s30] =	ssyncadd.s32 $0xFFFFC000  }
0x57: {  	[tilespmem:s23], [sflag:$0x1] =	stream.linear.gather [hbm4b:s7+s4], $0x80, $0x38;
	[tilespmem:$0x1E880] =	vst v63  }
0x58: {  	s8 =	simm.s32 $0x14200  }
0x59: {  	[tilespmem:s25], [sflag:$0x1] =	stream.indirect.gather [hbm4b:s1+s24], $0x80, s8, s24, $0xb8;
	[tilespmem:$0x1E880] =	vst v63  }
0x5a: {  	_ =	swait.ge [sflag:s22], $0x80  }
0x5b: {  	[sflag:s22] =	ssyncset.done $0x0  }
0x5c: {  	[sflag:s22] =	ssyncadd.s32 $0xFFFFFF80  }
0x5d: {  	_ =	swait.ge [sflag:s22], $0x4000  }
0x5e: {  	[sflag:s22] =	ssyncset.done $0x0  }
0x5f: {  	s0 =	simm.s32 $0x20;
	s5 =	simm.s32 $0x14280;
	[sflag:s22] =	ssyncadd.s32 $0xFFFFC000  }
.LBB2_2:
0x60: {  	[spmem:s3] =	stream.indirect.scatter.add.f32 [tilespmem:s29], [sflag:$0x4], $0x80, s26, s24, $0xb8;
	[tilespmem:$0x1E880] =	vst v63  }
0x61: {  	s7 =	smov.u32 s0  }
0x62: {  	p1 =	sne.s32 s0, $0x480;
	s0 =	sadd.s32 $0x20, s0;
	_ =	swait.ge [sflag:s2], $0x4000  }
0x63: {  	[sflag:s2] =	ssyncset.done $0x0  }
0x64: {  	s8 =	sadd.s32 s7, s17;
	[sflag:s2] =	ssyncadd.s32 $0xFFFFC000  }
0x65: {  	[tilespmem:s26], [sflag:$0x2] =	stream.linear.gather [hbm4b:s8+s4], $0x80, $0x38;
	[tilespmem:$0x1E880] =	vst v63  }
0x66: {  	_ = 	snop  }
0x67: {  	[tilespmem:s29], [sflag:$0x2] =	stream.indirect.gather [hbm4b:s1+s24], $0x80, s5, s24, $0xb8;
	[tilespmem:$0x1E880] =	vst v63  }
0x68: {  	_ =	swait.ge [sflag:s21], $0x80  }
0x69: {  	[sflag:s21] =	ssyncset.done $0x0  }
0x6a: {  	[sflag:s21] =	ssyncadd.s32 $0xFFFFFF80  }
0x6b: {  	_ =	swait.ge [sflag:s21], $0x4000  }
0x6c: {  	[sflag:s21] =	ssyncset.done $0x0  }
0x6d: {  	[sflag:s21] =	ssyncadd.s32 $0xFFFFC000  }
0x6e: {  	[spmem:s3] =	stream.indirect.scatter.add.f32 [tilespmem:s25], [sflag:$0x3], $0x80, s23, s24, $0xb8;
	[tilespmem:$0x1E880] =	vst v63  }
0x6f: {  	_ =	swait.ge [sflag:s30], $0x4000  }
0x70: {  	[sflag:s30] =	ssyncset.done $0x0  }
0x71: {  	s7 =	sadd.s32 s7, s18;
	[sflag:s30] =	ssyncadd.s32 $0xFFFFC000  }
0x72: {  	[tilespmem:s23], [sflag:$0x1] =	stream.linear.gather [hbm4b:s7+s4], $0x80, $0x38;
	[tilespmem:$0x1E880] =	vst v63  }
0x73: {  	s7 =	sadd.s32 $0x80, s5  }
0x74: {  	[tilespmem:s25], [sflag:$0x1] =	stream.indirect.gather [hbm4b:s1+s24], $0x80, s7, s24, $0xb8;
	[tilespmem:$0x1E880] =	vst v63  }
0x75: {  	_ =	swait.ge [sflag:s22], $0x80  }
.Ltmp0:
0x76: {  	[sflag:s22] =	ssyncset.done $0x0;
	(pc) =	sbr.rel @p1 .LBB2_2-.Ltmp0, $4  }
0x77: {  	[sflag:s22] =	ssyncadd.s32 $0xFFFFFF80  }
0x78: {  	_ =	swait.ge [sflag:s22], $0x4000  }
0x79: {  	[sflag:s22] =	ssyncset.done $0x0  }
0x7a: {  	s5 =	sadd.s32 $0x100, s5;
	[sflag:s22] =	ssyncadd.s32 $0xFFFFC000  }
0x7b: {  	[spmem:s3] =	stream.indirect.scatter.add.f32 [tilespmem:s29], [sflag:$0x4], $0x80, s26, s24, $0xb8;
	[tilespmem:$0x1E880] =	vst v63  }
0x7c: {  	_ =	swait.ge [sflag:s2], $0x4000  }
0x7d: {  	[sflag:s2] =	ssyncset.done $0x0  }
0x7e: {  	[sflag:s2] =	ssyncadd.s32 $0xFFFFC000  }
0x7f: {  	[tilespmem:s26], [sflag:$0x2] =	stream.linear.gather [hbm4b:s16+s4], $0x80, $0x38;
	[tilespmem:$0x1E880] =	vst v63  }
0x80: {  	s0 =	simm.s32 $0x16680  }
0x81: {  	[tilespmem:s29], [sflag:$0x2] =	stream.indirect.gather [hbm4b:s1+s24], $0x80, s0, s24, $0xb8;
	[tilespmem:$0x1E880] =	vst v63  }
0x82: {  	_ =	swait.ge [sflag:s21], $0x80  }
0x83: {  	[sflag:s21] =	ssyncset.done $0x0  }
0x84: {  	[sflag:s21] =	ssyncadd.s32 $0xFFFFFF80  }
0x85: {  	_ =	swait.ge [sflag:s21], $0x4000  }
0x86: {  	[sflag:s21] =	ssyncset.done $0x0  }
0x87: {  	[sflag:s21] =	ssyncadd.s32 $0xFFFFC000  }
0x88: {  	[spmem:s3] =	stream.indirect.scatter.add.f32 [tilespmem:s25], [sflag:$0x3], $0x80, s23, s24, $0xb8;
	[tilespmem:$0x1E880] =	vst v63  }
0x89: {  	_ =	swait.ge [sflag:s22], $0x80  }
0x8a: {  	[sflag:s22] =	ssyncset.done $0x0  }
0x8b: {  	[sflag:s22] =	ssyncadd.s32 $0xFFFFFF80  }
0x8c: {  	_ =	swait.ge [sflag:s22], $0x4000  }
0x8d: {  	[sflag:s22] =	ssyncset.done $0x0  }
0x8e: {  	[sflag:s22] =	ssyncadd.s32 $0xFFFFC000  }
0x8f: {  	[spmem:s3] =	stream.indirect.scatter.add.f32 [tilespmem:s29], [sflag:$0x4], $0x80, s26, s24, $0xb8;
	[tilespmem:$0x1E880] =	vst v63  }
0x90: {  	_ =	swait.ge [sflag:s30], $0x4000  }
0x91: {  	[sflag:s30] =	ssyncset.done $0x0  }
0x92: {  	[sflag:s30] =	ssyncadd.s32 $0xFFFFC000  }
0x93: {  	_ =	swait.ge [sflag:s2], $0x4000  }
0x94: {  	[sflag:s2] =	ssyncset.done $0x0  }
0x95: {  	s5 =	simm.s32 @!p0 $0x16780;
	s0 =	simm.s32 @!p0 $0x0;
	[sflag:s2] =	ssyncadd.s32 $0xFFFFC000  }
0x96: {  	[tilespmem:s5], [sflag:$0x1] =	stream.linear.gather @!p0 [hbm4b:s11+s0], $0x80, $0x38;
	[tilespmem:$0x1E880] =	vst v63  }
0x97: {  	s7 =	simm.s32 @!p0 $0x16700;
	s8 =	simm.s32 @!p0 $0x16880;
	s0 =	simm.s32 @!p0 $0x80  }
0x98: {  	[tilespmem:s8], [sflag:$0x1] =	stream.indirect.gather @!p0 [hbm4b:s1+s0], $0x80, s7, s0, $0xb8;
	[tilespmem:$0x1E880] =	vst v63  }
0x99: {  	s7 =	simm.s32 @!p0 $0x1  }
0x9a: {  	_ =	swait.ge @!p0 [sflag:s7], $0x80  }
0x9b: {  	[sflag:s7] =	ssyncset.done @!p0 $0x0  }
0x9c: {  	[sflag:s7] =	ssyncadd.s32 @!p0 $0xFFFFFF80  }
0x9d: {  	_ =	swait.ge @!p0 [sflag:s7], $0x4000  }
0x9e: {  	[sflag:s7] =	ssyncset.done @!p0 $0x0  }
0x9f: {  	[sflag:s7] =	ssyncadd.s32 @!p0 $0xFFFFC000  }
0xa0: {  	[spmem:s3] =	stream.indirect.scatter.add.f32 @!p0 [tilespmem:s8], [sflag:$0x5], $0x80, s5, s0, $0xb8;
	[tilespmem:$0x1E880] =	vst v63  }
0xa1: {  	s0 =	simm.s32 @!p0 $0x5  }
0xa2: {  	_ =	swait.ge @!p0 [sflag:s0], $0x4000  }
0xa3: {  	s31 =	sadd.s32 $0x1, s31;
	[sflag:s0] =	ssyncset.done @!p0 $0x0  }
0xa4: {  	p1 =	sne.s32 s31, s13;
	[sflag:s0] =	ssyncadd.s32 @!p0 $0xFFFFC000  }
.Ltmp1:
0xa5: {  	s8 =	sor.u32 $0x1C05, s6;
	[bflag:$0x0] =	sbarrier.arrive $0xFFFF;
	(pc) =	sbr.rel @p1 .LBB2_1-.Ltmp1, $4  }
0xa6: {  	[hbm:s12], [sflag:s8] =	dma.local [spmem:s19], $0x2800  }
0xa7: {  	_ =	swait.ge [sflag:s28], $0x2800  }
0xa8: {  	[sflag:s28] =	ssyncset.done $0x0  }
0xa9: {  	[sflag:s28] =	ssyncadd.s32 $0xFFFFD800  }
0xaa: {  	_ =	sfence.sel $0x180000  }
0xab: {  	[bflag:$0x0] =	sbarrier.arrive $0xFFFF  }
0xac: {  	_ =	strace $0x9000004A  }
0xad: {  	s0 =	stileid.u32;
	[bflag:$0x2] =	sbarrier.arrive $0xFFFF  }
0xae: {  	p0 =	sne.s32 s0, $0x0;
	s0 =	rddreg [dreg:$0x3]  }
0xaf: {  	s0 =	sadd.s32 @!p0 $0x100000, s0  }
0xb0: {  	[sflag:s0] =	ssyncadd.tile.s32 @!p0 $0x1;
	_ =	shalt  }
.Lfunc_end2:
_tile_overlayer_lowered:
.L_overlay_start_2:
0xb1: {  	(tag) =	ssettag $0x2  }
0xb2: {  	s0 =	rddreg [dreg:$0x0];
	s2 =	stileid.u32  }
0xb3: {  	s1 =	rddreg [dreg:$0x1];
	p0 =	sne.s32 s2, $0x0  }
0xb4: {  	s3 =	rddreg [dreg:$0x2];
	[bflag:$0x3] =	sbarrier.arrive $0xFFFF;
	s2 =	simm.s32 @!p0 $0x1C05  }
0xb5: {  	[timem:s3], [sflag:s2] =	dma.local @!p0 [hbm:s0], s1  }
0xb6: {  	s0 =	simm.s32 @!p0 $0x5  }
0xb7: {  	_ =	swait.ge @!p0 [sflag:s0], s1  }
0xb8: {  	s1 =	ssub.s32 @!p0 $0x0, s1;
	[sflag:s0] =	ssyncset.done @!p0 $0x0  }
0xb9: {  	[sflag:s0] =	ssyncadd.s32 @!p0 s1  }
0xba: {  	[bflag:$0x3] =	sbarrier.arrive $0xFFFF  }
0xbb: {  	_ =	shalt  }

// kernel: kernel.14.cloned.1.call-start
scs
__scs_entry_jumppad:
0x0: {  	(pc) =	sbr.rel $0x88, $3  }
0x1: {  	(tag) =	ssettag $0x0;
	lr =	simm.s32 $0x1  }
0x2: {  	[smem:$0x3F96] =	sst lr;
	_ =	strace $0xD0000000  }
0x3: {  	_ = 	snop  }
0x4: {  	_ = 	snop  }
0x5: {  	_ = 	snop  }
0x6: {  	_ = 	snop  }
0x7: {  	_ = 	snop  }
__scs_overlays_trampoline_lowered:
0x8: {  	[smem:$0x3FA5] =	sst s0  }
0x9: {  	[smem:$0x3FA6] =	sst s1  }
0xa: {  	[smem:$0x3FA7] =	sst s2  }
0xb: {  	[smem:$0x3FA8] =	sst s3  }
0xc: {  	[smem:$0x3FA9] =	sst s4  }
0xd: {  	[smem:$0x3FAA] =	sst s5  }
0xe: {  	[smem:$0x3FAB] =	sst s6  }
0xf: {  	[smem:$0x3FAC] =	sst s7  }
0x10: {  	[smem:$0x3FAD] =	sst s8  }
0x11: {  	[smem:$0x3FAE] =	sst s9;
	s0 =	simm.s32 @!p0 $0x0  }
0x12: {  	s1 =	sld [smem:$0x3F94];
	s0 =	simm.s32 @p0 $0x1  }
0x13: {  	[smem:$0x3FAF] =	sst s0;
	s0 =	simm.s32 @!p1 $0x0  }
0x14: {  	s2 =	sld [smem:$0x3F93];
	s0 =	simm.s32 @p1 $0x1  }
0x15: {  	[smem:$0x3FB0] =	sst s0;
	s0 =	simm.s32 @!p2 $0x0  }
0x16: {  	s3 =	sld [smem:$0x3FDB];
	s0 =	simm.s32 @p2 $0x1  }
0x17: {  	s4 =	simm.s32 $0x1BF5;
	[smem:$0x3FB2] =	sst s0  }
0x18: {  	s0 =	sld [smem:$0x3F95];
	_ =	swait.ge [sflag:s4], $0x0  }
0x19: {  	s7 =	sld [smem:$0x3F96]  }
0x1a: {  	s8 =	sadd.s32 $0xFFFFE003, lr  }
0x1b: {  	s9 =	sadd.s32 $0xFFFFFEF7, lr;
	s5 =	simm.s32 $0xFFFFFFFF;
	p2 =	slt.u32 s8, $0xFFFFF086  }
0x1c: {  	p1 =	slt.u32 s9, $0xF7A;
	s5 =	simm.s32 @!p2 $0x0  }
0x1d: {  	s5 =	simm.s32 @p1 $0x1;
	p0 =	seq.s32 s7, s2  }
0x1e: {  	s7 =	smul.u32 @!p0 $0xF7A, s2;
	p2 =	seq.s32 @!p0 s5, $0x0  }
0x1f: {  	s9 =	smul.u32 $0xF7A, s1;
	s8 =	simm.s32 @!p0 $0x1BF5;
	p2 =	por !p2, p0  }
0x20: {  	[sflag:s8] =	ssyncset.s32 @!p0 $0xFFFFF086;
	s6 =	sadd.s32 @!p0 s3, s7;
	s7 =	simm.s32 @!p0 $0x108  }
0x21: {  	s3 =	sadd.s32 s3, s9;
	s6 =	sadd.s32 @!p0 $0x88, s6;
	s7 =	simm.s32 @p2 $0x1082  }
0x22: {  	[simem:s7], [sflag:s8] =	dma.local @!p0 [hbm:s6], $0xF7A  }
0x23: {  	s9 =	sor.u32 $0xD0000000, s2;
	s6 =	simm.s32 $0x108;
	_ =	swait.ge @!p0 [sflag:s8], $0x0  }
0x24: {  	s3 =	sadd.s32 $0x88, s3;
	s6 =	simm.s32 @!p1 $0x1082;
	[sflag:s4] =	ssyncset.s32 $0xFFFFF086  }
0x25: {  	[simem:s6], [sflag:s4] =	dma.local [hbm:s3], $0xF7A  }
0x26: {  	[smem:$0x3F96] =	sst s1;
	(tag) =	ssettag s2;
	_ =	strace s9  }
0x27: {  	s1 =	sld [smem:$0x3FA6]  }
0x28: {  	s2 =	sld [smem:$0x3FA7]  }
0x29: {  	s4 =	sld [smem:$0x3FA9]  }
0x2a: {  	p0 =	seq.s32 s5, $0x0;
	s5 =	sld [smem:$0x3FAA]  }
0x2b: {  	s6 =	sld [smem:$0x3FAB]  }
0x2c: {  	s7 =	sld [smem:$0x3FAC]  }
0x2d: {  	s3 =	simm.s32 $0x108;
	s8 =	sld [smem:$0x3FAD]  }
0x2e: {  	s3 =	simm.s32 @!p0 $0x1082;
	s9 =	sld [smem:$0x3FAE]  }
0x2f: {  	lr =	sadd.s32 s0, s3;
	s0 =	sld [smem:$0x3FA5]  }
0x30: {  	s3 =	sld [smem:$0x3FA8]  }
0x31: {  	[smem:$0x3FB1] =	sst s10  }
0x32: {  	s10 =	sld [smem:$0x3FAF];
	_ =	sdelay $0x3  }
0x33: {  	p0 =	seq.s32 s10, $0x1;
	s10 =	sld [smem:$0x3FB1];
	_ =	sdelay $0x3  }
0x34: {  	[smem:$0x3FB1] =	sst s10  }
0x35: {  	s10 =	sld [smem:$0x3FB0];
	_ =	sdelay $0x3  }
0x36: {  	p1 =	seq.s32 s10, $0x1;
	s10 =	sld [smem:$0x3FB1];
	_ =	sdelay $0x3  }
0x37: {  	[smem:$0x3FB1] =	sst s10  }
0x38: {  	s10 =	sld [smem:$0x3FB2]  }
0x39: {  	_ = 	snop;
	(pc) =	sbr.ind lr, $3  }
0x3a: {  	_ = 	snop  }
0x3b: {  	_ = 	snop  }
0x3c: {  	p2 =	seq.s32 s10, $0x1;
	s10 =	sld [smem:$0x3FB1]  }
0x3d: {  	_ =	shalt  }
0x3e: {  	_ =	shalt  }
0x3f: {  	_ =	shalt  }
0x40: {  	_ =	shalt  }
0x41: {  	_ =	shalt  }
0x42: {  	_ =	shalt  }
0x43: {  	_ =	shalt  }
0x44: {  	_ =	shalt  }
0x45: {  	_ =	shalt  }
0x46: {  	_ =	shalt  }
0x47: {  	_ =	shalt  }
0x48: {  	_ =	shalt  }
0x49: {  	_ =	shalt  }
0x4a: {  	_ =	shalt  }
0x4b: {  	_ =	shalt  }
0x4c: {  	_ =	shalt  }
0x4d: {  	_ =	shalt  }
0x4e: {  	_ =	shalt  }
0x4f: {  	_ =	shalt  }
0x50: {  	_ =	shalt  }
0x51: {  	_ =	shalt  }
0x52: {  	_ =	shalt  }
0x53: {  	_ =	shalt  }
0x54: {  	_ =	shalt  }
0x55: {  	_ =	shalt  }
0x56: {  	_ =	shalt  }
0x57: {  	_ =	shalt  }
0x58: {  	_ =	shalt  }
0x59: {  	_ =	shalt  }
0x5a: {  	_ =	shalt  }
0x5b: {  	_ =	shalt  }
0x5c: {  	_ =	shalt  }
0x5d: {  	_ =	shalt  }
0x5e: {  	_ =	shalt  }
0x5f: {  	_ =	shalt  }
0x60: {  	_ =	shalt  }
0x61: {  	_ =	shalt  }
0x62: {  	_ =	shalt  }
0x63: {  	_ =	shalt  }
0x64: {  	_ =	shalt  }
0x65: {  	_ =	shalt  }
0x66: {  	_ =	shalt  }
0x67: {  	_ =	shalt  }
0x68: {  	_ =	shalt  }
0x69: {  	_ =	shalt  }
0x6a: {  	_ =	shalt  }
0x6b: {  	_ =	shalt  }
0x6c: {  	_ =	shalt  }
0x6d: {  	_ =	shalt  }
0x6e: {  	_ =	shalt  }
0x6f: {  	_ =	shalt  }
0x70: {  	_ =	shalt  }
0x71: {  	_ =	shalt  }
0x72: {  	_ =	shalt  }
0x73: {  	_ =	shalt  }
0x74: {  	_ =	shalt  }
0x75: {  	_ =	shalt  }
0x76: {  	_ =	shalt  }
0x77: {  	_ =	shalt  }
0x78: {  	_ =	shalt  }
0x79: {  	_ =	shalt  }
0x7a: {  	_ =	shalt  }
0x7b: {  	_ =	shalt  }
0x7c: {  	_ =	shalt  }
0x7d: {  	_ =	shalt  }
0x7e: {  	_ =	shalt  }
0x7f: {  	_ =	shalt  }
0x80: {  	_ =	shalt  }
0x81: {  	_ =	shalt  }
0x82: {  	_ =	shalt  }
0x83: {  	_ =	shalt  }
0x84: {  	_ =	shalt  }
0x85: {  	_ =	shalt  }
0x86: {  	_ =	shalt  }
0x87: {  	_ =	shalt  }
.Lfunc_end0:
.L_simem_size_0:
called_computation.2_lowered:
.L_overlay_start_0:
0x88: {  	s2 =	sld [smem:$0x3FD9]  }
0x89: {  	s3 =	sld [smem:$0x3FFE];
	_ =	sdelay $0x1  }
0x8a: {  	s1 =	srdreg.scid  }
0x8b: {  	s0 =	sand.u32 $0x1, s1  }
0x8c: {  	s17 =	sshll.u32 s0, $0xA;
	s2 =	sadd.s32 s3, s2  }
0x8d: {  	s2 =	sadd.s32 s2, s17  }
0x8e: {  	[smem:$0x3FBD] =	sst s2  }
0x8f: {  	_ = 	snop  }
0x90: {  	s2 =	sld [smem:$0x3FD0];
	(tm) =	ssettm $0x1  }
0x91: {  	s18 =	sld [smem:$0x3FFB];
	_ =	sdelay $0x3  }
0x92: {  	_ =	strace s18  }
0x93: {  	s3 =	sld [smem:$0x3FFC];
	_ =	sdelay $0x3  }
0x94: {  	_ =	strace s3  }
0x95: {  	s3 =	sld [smem:$0x3FFD];
	_ =	sdelay $0x3  }
0x96: {  	_ =	strace s3  }
0x97: {  	_ =	strace $0x8FFFFFFF  }
0x98: {  	s19 =	sld [smem:$0x3FDB];
	_ =	sdelay $0x1  }
0x99: {  	s4 =	simm.s32 $_scs_section_size  }
0x9a: {  	s5 =	simm.s32 $_size__tile_overlayer_lowered;
	s6 =	simm.s32 $_tile_overlayer_lowered  }
0x9b: {  	s22 =	simm.s32 $0x1BFF;
	s21 =	sshll.u32 s6, $0x1;
	s3 =	sadd.s32 s4, s19  }
0x9c: {  	s7 =	simm.s32 $0x0;
	s20 =	sshll.u32 s5, $0x1;
	s5 =	sadd.s32 s21, s3  }
0x9d: {  	[timem:s7], [sflag:s22] =	dma.local [hbm:s5], s20  }
0x9e: {  	_ =	swait.ge [sflag:s22], s20  }
0x9f: {  	s4 =	ssub.s32 $0x0, s20;
	[sflag:s22] =	ssyncset.done $0x0  }
0xa0: {  	[sflag:s22] =	ssyncadd.s32 s4;
	_ =	sdelay $0x1  }
0xa1: {  	s23 =	simm.s32 $0x1B8B  }
0xa2: {  	_ =	swait.ge [sflag:s23], $0x1  }
0xa3: {  	[sflag:s23] =	ssyncset.done $0x0  }
0xa4: {  	s25 =	simm.s32 $0x1B8E;
	s24 =	sld [smem:$0x3FFE];
	[sflag:s23] =	ssyncadd.s32 $0xFFFFFFFF  }
0xa5: {  	s26 =	simm.s32 $execute0_lowered;
	[smem:$0x3FD2] =	sst s25  }
0xa6: {  	s5 =	sshll.u32 s26, $0x1;
	_ =	strace $0x8000004C;
	[dreg:$0x1] =	wrdreg $0xFFFFFFFF  }
0xa7: {  	s28 =	simm.s32 $_size_execute0_lowered;
	s3 =	sadd.s32 s3, s5;
	[dreg:$0x0] =	wrdreg $0x0  }
0xa8: {  	s5 =	sshll.u32 s28, $0x1;
	[dreg:$0x2] =	wrdreg s3  }
0xa9: {  	[dreg:$0x3] =	wrdreg s5  }
0xaa: {  	[dreg:$0x4] =	wrdreg $0xC0  }
0xab: {  	_ =	task [dreg:s7], $0x5FFFF  }
0xac: {  	[dreg:$0x1] =	wrdreg $0xFFFFFFFF  }
0xad: {  	[dreg:$0x0] =	wrdreg $0x60  }
0xae: {  	[dreg:$0x2] =	wrdreg s2  }
0xaf: {  	[dreg:$0x3] =	wrdreg s24  }
0xb0: {  	[dreg:$0x4] =	wrdreg $0x0  }
0xb1: {  	[dreg:$0x5] =	wrdreg $0x9  }
0xb2: {  	_ =	task.clear_ibuf [dreg:s7], $0x6FFFF;
	_ =	strace $0x9000004C  }
0xb3: {  	s29 =	simm.s32 $0x9;
	_ =	strace $0x8000004E  }
0xb4: {  	_ =	swait.ge [sflag:s29], $0x1  }
0xb5: {  	[sflag:s29] =	ssyncadd.s32 $0xFFFFFFFF  }
0xb6: {  	_ =	strace $0x9000004E  }
0xb7: {  	_ =	sfence  }
0xb8: {  	s30 =	sld [smem:$0x0];
	_ =	sdelay $0x2  }
0xb9: {  	s31 =	sshll.u32 s1, $0xD;
	s1 =	sshrl.u32 s1, $0x2  }
0xba: {  	s3 =	sand.u32 $0x4000, s31;
	s1 =	sadd.s32 s1, s30  }
0xbb: {  	s0 =	sor.u32 s3, s0;
	s1 =	sshll.u32 s1, $0x11  }
0xbc: {  	s0 =	sor.u32 s1, s0  }
0xbd: {  	s0 =	sadd.s32 $0x8F2B, s0  }
0xbe: {  	[sflag:s0] =	ssyncadd.remote.s32 $0x1  }
0xbf: {  	_ =	sfence.sel $0xFFFF  }
0xc0: {  	[dreg:$0x0] =	wrdreg $0xFFFFFFFF;
	(pc) =	sbr.abs _section_cstart, $3  }
0xc1: {  	[dreg:$0x1] =	wrdreg $0xFFFFFFFF  }
0xc2: {  	_ =	task.clear_ibuf [dreg:s7], $0x2FFFF;
	_ =	strace $0x9FFFFFFF  }
0xc3: {  	(tm) =	ssettm $0x7FFFFFFF  }
tec
execute0_lowered:
.L_overlay_start_1:
0x0: {  	(tag) =	ssettag $0x1  }
0x1: {  	s1 =	rddreg [dreg:$0x0]  }
0x2: {  	s0 =	srdreg.scid;
	s2 =	rddreg [dreg:$0x1]  }
0x3: {  	s11 =	stileid.u32;
	s3 =	rddreg [dreg:$0x2]  }
0x4: {  	s29 =	simm.s32 $0x1A880;
	s30 =	simm.s32 $0x3;
	s28 =	simm.s32 $0x5  }
0x5: {  	s31 =	simm.s32 $0x0;
	s0 =	sand.u32 $0x1, s0;
	s8 =	smul.u32 $0x14000, s11  }
0x6: {  	s17 =	sadd.s32 $0xC600, s2;
	s19 =	smul.u32 $0x50000, s11;
	s9 =	sadd.s32 $0x16400, s2  }
0x7: {  	s4 =	sshll.u32 s0, $0x4;
	s7 =	smul.u32 $0x140000, s0;
	s18 =	ssub.s32 $0x2, s0  }
0x8: {  	s0 =	smul.u32 $0x4E0, s0;
	s5 =	sor.u32 s11, s4;
	s4 =	simm.s32 $0x0  }
0x9: {  	s20 =	sshrl.u32 s18, $0x1;
	s21 =	sshrl.u32 s19, $0x2;
	s6 =	smul.u32 $0x4E, s5  }
0xa: {  	s15 =	smin.u32 s5, $0x4;
	[smem:$0x7FF] =	sst s4;
	s14 =	sadd.s32 s8, s7  }
0xb: {  	s13 =	ssub.s32 s18, s20;
	s19 =	sadd.s32 s21, s3;
	p0 =	sgt.u32 s5, $0x3  }
0xc: {  	s20 =	simm.s32 $0x14000;
	s21 =	simm.s32 $0x1;
	_ =	strace $0x8000004D  }
0xd: {  	[dreg:$0x4] =	wrdreg s9;
	s13 =	smax.u32 s13, $0x1;
	s6 =	sadd.s32 s15, s6  }
0xe: {  	s19 =	sshrl.u32 s19, $0x3;
	s16 =	sshll.u32 s6, $0x4;
	s6 =	sshrl.u32 s14, $0x3  }
0xf: {  	s14 =	smul.u32 $0x4E, s11;
	s10 =	sadd.s32 s16, s2;
	s2 =	sadd.s32 s6, s2  }
0x10: {  	s6 =	sshll.u32 s11, $0x6;
	s9 =	sadd.s32 s17, s16;
	s18 =	sadd.s32 $0x10, s16  }
0x11: {  	s25 =	sadd.s32 $0x20, s16;
	s26 =	sadd.s32 $0x4D0, s16;
	s22 =	sor.u32 $0x1C01, s6  }
0x12: {  	s23 =	sadd.s32 $0x2800, s10;
	s10 =	sadd.s32 $0x2CE0, s10;
	s11 =	sadd.s32 $0x4E0, s9  }
0x13: {  	s12 =	sadd.s32 $0x68C00, s2;
	s24 =	sand.u32 $0x1FFFFFF0, s18;
	s0 =	sadd.s32 s14, s0  }
0x14: {  	s2 =	sand.u32 $0x1FFFFFF0, s25;
	s16 =	sand.u32 $0x1FFFFFF0, s26;
	[dreg:$0x5] =	wrdreg s22  }
0x15: {  	s25 =	simm.s32 $0x16880;
	s26 =	simm.s32 $0x16800;
	[dreg:$0x6] =	wrdreg s23  }
0x16: {  	s14 =	sadd.s32 s17, s24;
	s0 =	sadd.s32 s15, s0;
	s15 =	sadd.s32 s17, s2  }
0x17: {  	s16 =	sadd.s32 s17, s16;
	s22 =	simm.s32 $0x2;
	s0 =	sshll.u32 s0, $0x4  }
0x18: {  	s23 =	simm.s32 $0x16780;
	s24 =	simm.s32 $0x80;
	s0 =	sadd.s32 s17, s0  }
0x19: {  	s2 =	simm.s32 $0x4;
	s17 =	sadd.s32 $0x30, s0;
	s18 =	sadd.s32 $0x40, s0  }
.LBB2_1:
0x1a: {  	s0 =	rddreg [dreg:$0x4]  }
0x1b: {  	s5 =	rddreg [dreg:$0x5]  }
0x1c: {  	[spmem:s19], [sflag:s5] =	dma.local [hbm:s0], $0x2800  }
0x1d: {  	s0 =	rddreg [dreg:$0x6]  }
0x1e: {  	[tilespmem:s20], [sflag:$0x2] =	stream.linear.gather [hbm4b:s0+s4], $0x2700, $0x38;
	[tilespmem:$0x1E880] =	vst v63  }
0x1f: {  	s5 =	simm.s32 @!p0 $0x16700;
	s0 =	simm.s32 @!p0 $0x0  }
0x20: {  	[tilespmem:s5], [sflag:$0x5] =	stream.linear.gather @!p0 [hbm4b:s10+s0], $0x80, $0x38;
	[tilespmem:$0x1E880] =	vst v63  }
0x21: {  	s0 =	simm.s32 @!p0 $0x5  }
0x22: {  	_ =	swait.ge @!p0 [sflag:s0], $0x80  }
0x23: {  	[sflag:s0] =	ssyncset.done @!p0 $0x0  }
0x24: {  	[sflag:s0] =	ssyncadd.s32 @!p0 $0xFFFFFF80  }
0x25: {  	_ =	swait.ge [sflag:s21], $0x2800  }
0x26: {  	[sflag:s21] =	ssyncset.done $0x0  }
0x27: {  	[sflag:s21] =	ssyncadd.s32 $0xFFFFD800  }
0x28: {  	_ =	swait.ge [sflag:s22], $0x2700  }
0x29: {  	[sflag:s22] =	ssyncset.done $0x0  }
0x2a: {  	[sflag:s22] =	ssyncadd.s32 $0xFFFFD900  }
0x2b: {  	[bflag:$0x0] =	sbarrier.arrive $0xFFFF  }
0x2c: {  	[tilespmem:s23], [sflag:$0x1] =	stream.linear.gather [hbm4b:s9+s4], $0x80, $0x38;
	[tilespmem:$0x1E880] =	vst v63  }
0x2d: {  	_ = 	snop  }
0x2e: {  	[tilespmem:s25], [sflag:$0x1] =	stream.indirect.gather [hbm4b:s1+s24], $0x80, s20, s24, $0xb8;
	[tilespmem:$0x1E880] =	vst v63  }
0x2f: {  	_ = 	snop  }
0x30: {  	[tilespmem:s26], [sflag:$0x2] =	stream.linear.gather [hbm4b:s14+s4], $0x80, $0x38;
	[tilespmem:$0x1E880] =	vst v63  }
0x31: {  	s5 =	simm.s32 $0x14080  }
0x32: {  	[tilespmem:s29], [sflag:$0x2] =	stream.indirect.gather [hbm4b:s1+s24], $0x80, s5, s24, $0xb8;
	[tilespmem:$0x1E880] =	vst v63  }
0x33: {  	_ =	swait.ge [sflag:s21], $0x80  }
0x34: {  	[sflag:s21] =	ssyncset.done $0x0  }
0x35: {  	[sflag:s21] =	ssyncadd.s32 $0xFFFFFF80  }
0x36: {  	_ =	swait.ge [sflag:s21], $0x4000  }
0x37: {  	[sflag:s21] =	ssyncset.done $0x0  }
0x38: {  	[sflag:s21] =	ssyncadd.s32 $0xFFFFC000  }
0x39: {  	[spmem:s3] =	stream.indirect.scatter.add.f32 [tilespmem:s25], [sflag:$0x3], $0x80, s23, s24, $0xb8;
	[tilespmem:$0x1E880] =	vst v63  }
0x3a: {  	_ =	swait.ge [sflag:s30], $0x4000  }
0x3b: {  	[sflag:s30] =	ssyncset.done $0x0  }
0x3c: {  	[sflag:s30] =	ssyncadd.s32 $0xFFFFC000  }
0x3d: {  	[tilespmem:s23], [sflag:$0x1] =	stream.linear.gather [hbm4b:s15+s4], $0x80, $0x38;
	[tilespmem:$0x1E880] =	vst v63  }
0x3e: {  	s7 =	simm.s32 $0x14100  }
0x3f: {  	[tilespmem:s25], [sflag:$0x1] =	stream.indirect.gather [hbm4b:s1+s24], $0x80, s7, s24, $0xb8;
	[tilespmem:$0x1E880] =	vst v63  }
0x40: {  	_ =	swait.ge [sflag:s22], $0x80  }
0x41: {  	[sflag:s22] =	ssyncset.done $0x0  }
0x42: {  	[sflag:s22] =	ssyncadd.s32 $0xFFFFFF80  }
0x43: {  	_ =	swait.ge [sflag:s22], $0x4000  }
0x44: {  	[sflag:s22] =	ssyncset.done $0x0  }
0x45: {  	[sflag:s22] =	ssyncadd.s32 $0xFFFFC000  }
0x46: {  	[spmem:s3] =	stream.indirect.scatter.add.f32 [tilespmem:s29], [sflag:$0x4], $0x80, s26, s24, $0xb8;
	[tilespmem:$0x1E880] =	vst v63  }
0x47: {  	_ =	swait.ge [sflag:s2], $0x4000  }
0x48: {  	[sflag:s2] =	ssyncset.done $0x0  }
0x49: {  	s8 =	sadd.s32 $0x0, s17;
	[sflag:s2] =	ssyncadd.s32 $0xFFFFC000  }
0x4a: {  	[tilespmem:s26], [sflag:$0x2] =	stream.linear.gather [hbm4b:s8+s4], $0x80, $0x38;
	[tilespmem:$0x1E880] =	vst v63  }
0x4b: {  	s5 =	simm.s32 $0x14180  }
0x4c: {  	[tilespmem:s29], [sflag:$0x2] =	stream.indirect.gather [hbm4b:s1+s24], $0x80, s5, s24, $0xb8;
	[tilespmem:$0x1E880] =	vst v63  }
0x4d: {  	_ =	swait.ge [sflag:s21], $0x80  }
0x4e: {  	[sflag:s21] =	ssyncset.done $0x0  }
0x4f: {  	[sflag:s21] =	ssyncadd.s32 $0xFFFFFF80  }
0x50: {  	_ =	swait.ge [sflag:s21], $0x4000  }
0x51: {  	[sflag:s21] =	ssyncset.done $0x0  }
0x52: {  	[sflag:s21] =	ssyncadd.s32 $0xFFFFC000  }
0x53: {  	[spmem:s3] =	stream.indirect.scatter.add.f32 [tilespmem:s25], [sflag:$0x3], $0x80, s23, s24, $0xb8;
	[tilespmem:$0x1E880] =	vst v63  }
0x54: {  	_ =	swait.ge [sflag:s30], $0x4000  }
0x55: {  	[sflag:s30] =	ssyncset.done $0x0  }
0x56: {  	s7 =	sadd.s32 $0x0, s18;
	[sflag:s30] =	ssyncadd.s32 $0xFFFFC000  }
0x57: {  	[tilespmem:s23], [sflag:$0x1] =	stream.linear.gather [hbm4b:s7+s4], $0x80, $0x38;
	[tilespmem:$0x1E880] =	vst v63  }
0x58: {  	s8 =	simm.s32 $0x14200  }
0x59: {  	[tilespmem:s25], [sflag:$0x1] =	stream.indirect.gather [hbm4b:s1+s24], $0x80, s8, s24, $0xb8;
	[tilespmem:$0x1E880] =	vst v63  }
0x5a: {  	_ =	swait.ge [sflag:s22], $0x80  }
0x5b: {  	[sflag:s22] =	ssyncset.done $0x0  }
0x5c: {  	[sflag:s22] =	ssyncadd.s32 $0xFFFFFF80  }
0x5d: {  	_ =	swait.ge [sflag:s22], $0x4000  }
0x5e: {  	[sflag:s22] =	ssyncset.done $0x0  }
0x5f: {  	s0 =	simm.s32 $0x20;
	s5 =	simm.s32 $0x14280;
	[sflag:s22] =	ssyncadd.s32 $0xFFFFC000  }
.LBB2_2:
0x60: {  	[spmem:s3] =	stream.indirect.scatter.add.f32 [tilespmem:s29], [sflag:$0x4], $0x80, s26, s24, $0xb8;
	[tilespmem:$0x1E880] =	vst v63  }
0x61: {  	s7 =	smov.u32 s0  }
0x62: {  	p1 =	sne.s32 s0, $0x480;
	s0 =	sadd.s32 $0x20, s0;
	_ =	swait.ge [sflag:s2], $0x4000  }
0x63: {  	[sflag:s2] =	ssyncset.done $0x0  }
0x64: {  	s8 =	sadd.s32 s7, s17;
	[sflag:s2] =	ssyncadd.s32 $0xFFFFC000  }
0x65: {  	[tilespmem:s26], [sflag:$0x2] =	stream.linear.gather [hbm4b:s8+s4], $0x80, $0x38;
	[tilespmem:$0x1E880] =	vst v63  }
0x66: {  	_ = 	snop  }
0x67: {  	[tilespmem:s29], [sflag:$0x2] =	stream.indirect.gather [hbm4b:s1+s24], $0x80, s5, s24, $0xb8;
	[tilespmem:$0x1E880] =	vst v63  }
0x68: {  	_ =	swait.ge [sflag:s21], $0x80  }
0x69: {  	[sflag:s21] =	ssyncset.done $0x0  }
0x6a: {  	[sflag:s21] =	ssyncadd.s32 $0xFFFFFF80  }
0x6b: {  	_ =	swait.ge [sflag:s21], $0x4000  }
0x6c: {  	[sflag:s21] =	ssyncset.done $0x0  }
0x6d: {  	[sflag:s21] =	ssyncadd.s32 $0xFFFFC000  }
0x6e: {  	[spmem:s3] =	stream.indirect.scatter.add.f32 [tilespmem:s25], [sflag:$0x3], $0x80, s23, s24, $0xb8;
	[tilespmem:$0x1E880] =	vst v63  }
0x6f: {  	_ =	swait.ge [sflag:s30], $0x4000  }
0x70: {  	[sflag:s30] =	ssyncset.done $0x0  }
0x71: {  	s7 =	sadd.s32 s7, s18;
	[sflag:s30] =	ssyncadd.s32 $0xFFFFC000  }
0x72: {  	[tilespmem:s23], [sflag:$0x1] =	stream.linear.gather [hbm4b:s7+s4], $0x80, $0x38;
	[tilespmem:$0x1E880] =	vst v63  }
0x73: {  	s7 =	sadd.s32 $0x80, s5  }
0x74: {  	[tilespmem:s25], [sflag:$0x1] =	stream.indirect.gather [hbm4b:s1+s24], $0x80, s7, s24, $0xb8;
	[tilespmem:$0x1E880] =	vst v63  }
0x75: {  	_ =	swait.ge [sflag:s22], $0x80  }
.Ltmp0:
0x76: {  	[sflag:s22] =	ssyncset.done $0x0;
	(pc) =	sbr.rel @p1 .LBB2_2-.Ltmp0, $4  }
0x77: {  	[sflag:s22] =	ssyncadd.s32 $0xFFFFFF80  }
0x78: {  	_ =	swait.ge [sflag:s22], $0x4000  }
0x79: {  	[sflag:s22] =	ssyncset.done $0x0  }
0x7a: {  	s5 =	sadd.s32 $0x100, s5;
	[sflag:s22] =	ssyncadd.s32 $0xFFFFC000  }
0x7b: {  	[spmem:s3] =	stream.indirect.scatter.add.f32 [tilespmem:s29], [sflag:$0x4], $0x80, s26, s24, $0xb8;
	[tilespmem:$0x1E880] =	vst v63  }
0x7c: {  	_ =	swait.ge [sflag:s2], $0x4000  }
0x7d: {  	[sflag:s2] =	ssyncset.done $0x0  }
0x7e: {  	[sflag:s2] =	ssyncadd.s32 $0xFFFFC000  }
0x7f: {  	[tilespmem:s26], [sflag:$0x2] =	stream.linear.gather [hbm4b:s16+s4], $0x80, $0x38;
	[tilespmem:$0x1E880] =	vst v63  }
0x80: {  	s0 =	simm.s32 $0x16680  }
0x81: {  	[tilespmem:s29], [sflag:$0x2] =	stream.indirect.gather [hbm4b:s1+s24], $0x80, s0, s24, $0xb8;
	[tilespmem:$0x1E880] =	vst v63  }
0x82: {  	_ =	swait.ge [sflag:s21], $0x80  }
0x83: {  	[sflag:s21] =	ssyncset.done $0x0  }
0x84: {  	[sflag:s21] =	ssyncadd.s32 $0xFFFFFF80  }
0x85: {  	_ =	swait.ge [sflag:s21], $0x4000  }
0x86: {  	[sflag:s21] =	ssyncset.done $0x0  }
0x87: {  	[sflag:s21] =	ssyncadd.s32 $0xFFFFC000  }
0x88: {  	[spmem:s3] =	stream.indirect.scatter.add.f32 [tilespmem:s25], [sflag:$0x3], $0x80, s23, s24, $0xb8;
	[tilespmem:$0x1E880] =	vst v63  }
0x89: {  	_ =	swait.ge [sflag:s22], $0x80  }
0x8a: {  	[sflag:s22] =	ssyncset.done $0x0  }
0x8b: {  	[sflag:s22] =	ssyncadd.s32 $0xFFFFFF80  }
0x8c: {  	_ =	swait.ge [sflag:s22], $0x4000  }
0x8d: {  	[sflag:s22] =	ssyncset.done $0x0  }
0x8e: {  	[sflag:s22] =	ssyncadd.s32 $0xFFFFC000  }
0x8f: {  	[spmem:s3] =	stream.indirect.scatter.add.f32 [tilespmem:s29], [sflag:$0x4], $0x80, s26, s24, $0xb8;
	[tilespmem:$0x1E880] =	vst v63  }
0x90: {  	_ =	swait.ge [sflag:s30], $0x4000  }
0x91: {  	[sflag:s30] =	ssyncset.done $0x0  }
0x92: {  	[sflag:s30] =	ssyncadd.s32 $0xFFFFC000  }
0x93: {  	_ =	swait.ge [sflag:s2], $0x4000  }
0x94: {  	[sflag:s2] =	ssyncset.done $0x0  }
0x95: {  	s5 =	simm.s32 @!p0 $0x16780;
	s0 =	simm.s32 @!p0 $0x0;
	[sflag:s2] =	ssyncadd.s32 $0xFFFFC000  }
0x96: {  	[tilespmem:s5], [sflag:$0x1] =	stream.linear.gather @!p0 [hbm4b:s11+s0], $0x80, $0x38;
	[tilespmem:$0x1E880] =	vst v63  }
0x97: {  	s7 =	simm.s32 @!p0 $0x16700;
	s8 =	simm.s32 @!p0 $0x16880;
	s0 =	simm.s32 @!p0 $0x80  }
0x98: {  	[tilespmem:s8], [sflag:$0x1] =	stream.indirect.gather @!p0 [hbm4b:s1+s0], $0x80, s7, s0, $0xb8;
	[tilespmem:$0x1E880] =	vst v63  }
0x99: {  	s7 =	simm.s32 @!p0 $0x1  }
0x9a: {  	_ =	swait.ge @!p0 [sflag:s7], $0x80  }
0x9b: {  	[sflag:s7] =	ssyncset.done @!p0 $0x0  }
0x9c: {  	[sflag:s7] =	ssyncadd.s32 @!p0 $0xFFFFFF80  }
0x9d: {  	_ =	swait.ge @!p0 [sflag:s7], $0x4000  }
0x9e: {  	[sflag:s7] =	ssyncset.done @!p0 $0x0  }
0x9f: {  	[sflag:s7] =	ssyncadd.s32 @!p0 $0xFFFFC000  }
0xa0: {  	[spmem:s3] =	stream.indirect.scatter.add.f32 @!p0 [tilespmem:s8], [sflag:$0x5], $0x80, s5, s0, $0xb8;
	[tilespmem:$0x1E880] =	vst v63  }
0xa1: {  	s0 =	simm.s32 @!p0 $0x5  }
0xa2: {  	_ =	swait.ge @!p0 [sflag:s0], $0x4000  }
0xa3: {  	s31 =	sadd.s32 $0x1, s31;
	[sflag:s0] =	ssyncset.done @!p0 $0x0  }
0xa4: {  	p1 =	sne.s32 s31, s13;
	[sflag:s0] =	ssyncadd.s32 @!p0 $0xFFFFC000  }
.Ltmp1:
0xa5: {  	s8 =	sor.u32 $0x1C05, s6;
	[bflag:$0x0] =	sbarrier.arrive $0xFFFF;
	(pc) =	sbr.rel @p1 .LBB2_1-.Ltmp1, $4  }
0xa6: {  	[hbm:s12], [sflag:s8] =	dma.local [spmem:s19], $0x2800  }
0xa7: {  	_ =	swait.ge [sflag:s28], $0x2800  }
0xa8: {  	[sflag:s28] =	ssyncset.done $0x0  }
0xa9: {  	[sflag:s28] =	ssyncadd.s32 $0xFFFFD800  }
0xaa: {  	_ =	sfence.sel $0x180000  }
0xab: {  	[bflag:$0x0] =	sbarrier.arrive $0xFFFF  }
0xac: {  	_ =	strace $0x9000004D  }
0xad: {  	s0 =	stileid.u32;
	[bflag:$0x2] =	sbarrier.arrive $0xFFFF  }
0xae: {  	p0 =	sne.s32 s0, $0x0;
	s0 =	rddreg [dreg:$0x3]  }
0xaf: {  	s0 =	sadd.s32 @!p0 $0x100000, s0  }
0xb0: {  	[sflag:s0] =	ssyncadd.tile.s32 @!p0 $0x1;
	_ =	shalt  }
.Lfunc_end2:
_tile_overlayer_lowered:
.L_overlay_start_2:
0xb1: {  	(tag) =	ssettag $0x2  }
0xb2: {  	s0 =	rddreg [dreg:$0x0];
	s2 =	stileid.u32  }
0xb3: {  	s1 =	rddreg [dreg:$0x1];
	p0 =	sne.s32 s2, $0x0  }
0xb4: {  	s3 =	rddreg [dreg:$0x2];
	[bflag:$0x3] =	sbarrier.arrive $0xFFFF;
	s2 =	simm.s32 @!p0 $0x1C05  }
0xb5: {  	[timem:s3], [sflag:s2] =	dma.local @!p0 [hbm:s0], s1  }
0xb6: {  	s0 =	simm.s32 @!p0 $0x5  }
0xb7: {  	_ =	swait.ge @!p0 [sflag:s0], s1  }
0xb8: {  	s1 =	ssub.s32 @!p0 $0x0, s1;
	[sflag:s0] =	ssyncset.done @!p0 $0x0  }
0xb9: {  	[sflag:s0] =	ssyncadd.s32 @!p0 s1  }
0xba: {  	[bflag:$0x3] =	sbarrier.arrive $0xFFFF  }
0xbb: {  	_ =	shalt  }

// kernel: kernel.8.cloned.1.call-start
scs
__scs_entry_jumppad:
0x0: {  	(pc) =	sbr.rel $0x88, $3  }
0x1: {  	(tag) =	ssettag $0x0;
	lr =	simm.s32 $0x1  }
0x2: {  	[smem:$0x3F96] =	sst lr;
	_ =	strace $0xD0000000  }
0x3: {  	_ = 	snop  }
0x4: {  	_ = 	snop  }
0x5: {  	_ = 	snop  }
0x6: {  	_ = 	snop  }
0x7: {  	_ = 	snop  }
__scs_overlays_trampoline_lowered:
0x8: {  	[smem:$0x3FA5] =	sst s0  }
0x9: {  	[smem:$0x3FA6] =	sst s1  }
0xa: {  	[smem:$0x3FA7] =	sst s2  }
0xb: {  	[smem:$0x3FA8] =	sst s3  }
0xc: {  	[smem:$0x3FA9] =	sst s4  }
0xd: {  	[smem:$0x3FAA] =	sst s5  }
0xe: {  	[smem:$0x3FAB] =	sst s6  }
0xf: {  	[smem:$0x3FAC] =	sst s7  }
0x10: {  	[smem:$0x3FAD] =	sst s8  }
0x11: {  	[smem:$0x3FAE] =	sst s9;
	s0 =	simm.s32 @!p0 $0x0  }
0x12: {  	s1 =	sld [smem:$0x3F94];
	s0 =	simm.s32 @p0 $0x1  }
0x13: {  	[smem:$0x3FAF] =	sst s0;
	s0 =	simm.s32 @!p1 $0x0  }
0x14: {  	s2 =	sld [smem:$0x3F93];
	s0 =	simm.s32 @p1 $0x1  }
0x15: {  	[smem:$0x3FB0] =	sst s0;
	s0 =	simm.s32 @!p2 $0x0  }
0x16: {  	s3 =	sld [smem:$0x3FDB];
	s0 =	simm.s32 @p2 $0x1  }
0x17: {  	s4 =	simm.s32 $0x1BF5;
	[smem:$0x3FB2] =	sst s0  }
0x18: {  	s0 =	sld [smem:$0x3F95];
	_ =	swait.ge [sflag:s4], $0x0  }
0x19: {  	s7 =	sld [smem:$0x3F96]  }
0x1a: {  	s8 =	sadd.s32 $0xFFFFE003, lr  }
0x1b: {  	s9 =	sadd.s32 $0xFFFFFEF7, lr;
	s5 =	simm.s32 $0xFFFFFFFF;
	p2 =	slt.u32 s8, $0xFFFFF086  }
0x1c: {  	p1 =	slt.u32 s9, $0xF7A;
	s5 =	simm.s32 @!p2 $0x0  }
0x1d: {  	s5 =	simm.s32 @p1 $0x1;
	p0 =	seq.s32 s7, s2  }
0x1e: {  	s7 =	smul.u32 @!p0 $0xF7A, s2;
	p2 =	seq.s32 @!p0 s5, $0x0  }
0x1f: {  	s9 =	smul.u32 $0xF7A, s1;
	s8 =	simm.s32 @!p0 $0x1BF5;
	p2 =	por !p2, p0  }
0x20: {  	[sflag:s8] =	ssyncset.s32 @!p0 $0xFFFFF086;
	s6 =	sadd.s32 @!p0 s3, s7;
	s7 =	simm.s32 @!p0 $0x108  }
0x21: {  	s3 =	sadd.s32 s3, s9;
	s6 =	sadd.s32 @!p0 $0x88, s6;
	s7 =	simm.s32 @p2 $0x1082  }
0x22: {  	[simem:s7], [sflag:s8] =	dma.local @!p0 [hbm:s6], $0xF7A  }
0x23: {  	s9 =	sor.u32 $0xD0000000, s2;
	s6 =	simm.s32 $0x108;
	_ =	swait.ge @!p0 [sflag:s8], $0x0  }
0x24: {  	s3 =	sadd.s32 $0x88, s3;
	s6 =	simm.s32 @!p1 $0x1082;
	[sflag:s4] =	ssyncset.s32 $0xFFFFF086  }
0x25: {  	[simem:s6], [sflag:s4] =	dma.local [hbm:s3], $0xF7A  }
0x26: {  	[smem:$0x3F96] =	sst s1;
	(tag) =	ssettag s2;
	_ =	strace s9  }
0x27: {  	s1 =	sld [smem:$0x3FA6]  }
0x28: {  	s2 =	sld [smem:$0x3FA7]  }
0x29: {  	s4 =	sld [smem:$0x3FA9]  }
0x2a: {  	p0 =	seq.s32 s5, $0x0;
	s5 =	sld [smem:$0x3FAA]  }
0x2b: {  	s6 =	sld [smem:$0x3FAB]  }
0x2c: {  	s7 =	sld [smem:$0x3FAC]  }
0x2d: {  	s3 =	simm.s32 $0x108;
	s8 =	sld [smem:$0x3FAD]  }
0x2e: {  	s3 =	simm.s32 @!p0 $0x1082;
	s9 =	sld [smem:$0x3FAE]  }
0x2f: {  	lr =	sadd.s32 s0, s3;
	s0 =	sld [smem:$0x3FA5]  }
0x30: {  	s3 =	sld [smem:$0x3FA8]  }
0x31: {  	[smem:$0x3FB1] =	sst s10  }
0x32: {  	s10 =	sld [smem:$0x3FAF];
	_ =	sdelay $0x3  }
0x33: {  	p0 =	seq.s32 s10, $0x1;
	s10 =	sld [smem:$0x3FB1];
	_ =	sdelay $0x3  }
0x34: {  	[smem:$0x3FB1] =	sst s10  }
0x35: {  	s10 =	sld [smem:$0x3FB0];
	_ =	sdelay $0x3  }
0x36: {  	p1 =	seq.s32 s10, $0x1;
	s10 =	sld [smem:$0x3FB1];
	_ =	sdelay $0x3  }
0x37: {  	[smem:$0x3FB1] =	sst s10  }
0x38: {  	s10 =	sld [smem:$0x3FB2]  }
0x39: {  	_ = 	snop;
	(pc) =	sbr.ind lr, $3  }
0x3a: {  	_ = 	snop  }
0x3b: {  	_ = 	snop  }
0x3c: {  	p2 =	seq.s32 s10, $0x1;
	s10 =	sld [smem:$0x3FB1]  }
0x3d: {  	_ =	shalt  }
0x3e: {  	_ =	shalt  }
0x3f: {  	_ =	shalt  }
0x40: {  	_ =	shalt  }
0x41: {  	_ =	shalt  }
0x42: {  	_ =	shalt  }
0x43: {  	_ =	shalt  }
0x44: {  	_ =	shalt  }
0x45: {  	_ =	shalt  }
0x46: {  	_ =	shalt  }
0x47: {  	_ =	shalt  }
0x48: {  	_ =	shalt  }
0x49: {  	_ =	shalt  }
0x4a: {  	_ =	shalt  }
0x4b: {  	_ =	shalt  }
0x4c: {  	_ =	shalt  }
0x4d: {  	_ =	shalt  }
0x4e: {  	_ =	shalt  }
0x4f: {  	_ =	shalt  }
0x50: {  	_ =	shalt  }
0x51: {  	_ =	shalt  }
0x52: {  	_ =	shalt  }
0x53: {  	_ =	shalt  }
0x54: {  	_ =	shalt  }
0x55: {  	_ =	shalt  }
0x56: {  	_ =	shalt  }
0x57: {  	_ =	shalt  }
0x58: {  	_ =	shalt  }
0x59: {  	_ =	shalt  }
0x5a: {  	_ =	shalt  }
0x5b: {  	_ =	shalt  }
0x5c: {  	_ =	shalt  }
0x5d: {  	_ =	shalt  }
0x5e: {  	_ =	shalt  }
0x5f: {  	_ =	shalt  }
0x60: {  	_ =	shalt  }
0x61: {  	_ =	shalt  }
0x62: {  	_ =	shalt  }
0x63: {  	_ =	shalt  }
0x64: {  	_ =	shalt  }
0x65: {  	_ =	shalt  }
0x66: {  	_ =	shalt  }
0x67: {  	_ =	shalt  }
0x68: {  	_ =	shalt  }
0x69: {  	_ =	shalt  }
0x6a: {  	_ =	shalt  }
0x6b: {  	_ =	shalt  }
0x6c: {  	_ =	shalt  }
0x6d: {  	_ =	shalt  }
0x6e: {  	_ =	shalt  }
0x6f: {  	_ =	shalt  }
0x70: {  	_ =	shalt  }
0x71: {  	_ =	shalt  }
0x72: {  	_ =	shalt  }
0x73: {  	_ =	shalt  }
0x74: {  	_ =	shalt  }
0x75: {  	_ =	shalt  }
0x76: {  	_ =	shalt  }
0x77: {  	_ =	shalt  }
0x78: {  	_ =	shalt  }
0x79: {  	_ =	shalt  }
0x7a: {  	_ =	shalt  }
0x7b: {  	_ =	shalt  }
0x7c: {  	_ =	shalt  }
0x7d: {  	_ =	shalt  }
0x7e: {  	_ =	shalt  }
0x7f: {  	_ =	shalt  }
0x80: {  	_ =	shalt  }
0x81: {  	_ =	shalt  }
0x82: {  	_ =	shalt  }
0x83: {  	_ =	shalt  }
0x84: {  	_ =	shalt  }
0x85: {  	_ =	shalt  }
0x86: {  	_ =	shalt  }
0x87: {  	_ =	shalt  }
.Lfunc_end0:
.L_simem_size_0:
called_computation_lowered:
.L_overlay_start_0:
0x88: {  	s2 =	sld [smem:$0x3FD9]  }
0x89: {  	s3 =	sld [smem:$0x3FFE];
	_ =	sdelay $0x1  }
0x8a: {  	s1 =	srdreg.scid  }
0x8b: {  	s0 =	sand.u32 $0x1, s1  }
0x8c: {  	s17 =	sshll.u32 s0, $0xA;
	s2 =	sadd.s32 s3, s2  }
0x8d: {  	s2 =	sadd.s32 s2, s17  }
0x8e: {  	[smem:$0x3FBD] =	sst s2  }
0x8f: {  	_ = 	snop  }
0x90: {  	s2 =	sld [smem:$0x3FD0];
	(tm) =	ssettm $0x1  }
0x91: {  	s18 =	sld [smem:$0x3FFB];
	_ =	sdelay $0x3  }
0x92: {  	_ =	strace s18  }
0x93: {  	s3 =	sld [smem:$0x3FFC];
	_ =	sdelay $0x3  }
0x94: {  	_ =	strace s3  }
0x95: {  	s3 =	sld [smem:$0x3FFD];
	_ =	sdelay $0x3  }
0x96: {  	_ =	strace s3  }
0x97: {  	_ =	strace $0x8FFFFFFF  }
0x98: {  	s19 =	sld [smem:$0x3FDB];
	_ =	sdelay $0x1  }
0x99: {  	s4 =	simm.s32 $_scs_section_size  }
0x9a: {  	s5 =	simm.s32 $_size__tile_overlayer_lowered;
	s6 =	simm.s32 $_tile_overlayer_lowered  }
0x9b: {  	s22 =	simm.s32 $0x1BFF;
	s21 =	sshll.u32 s6, $0x1;
	s3 =	sadd.s32 s4, s19  }
0x9c: {  	s7 =	simm.s32 $0x0;
	s20 =	sshll.u32 s5, $0x1;
	s5 =	sadd.s32 s21, s3  }
0x9d: {  	[timem:s7], [sflag:s22] =	dma.local [hbm:s5], s20  }
0x9e: {  	_ =	swait.ge [sflag:s22], s20  }
0x9f: {  	s4 =	ssub.s32 $0x0, s20;
	[sflag:s22] =	ssyncset.done $0x0  }
0xa0: {  	[sflag:s22] =	ssyncadd.s32 s4;
	_ =	sdelay $0x1  }
0xa1: {  	s23 =	simm.s32 $0x1B8B  }
0xa2: {  	_ =	swait.ge [sflag:s23], $0x1  }
0xa3: {  	[sflag:s23] =	ssyncset.done $0x0  }
0xa4: {  	s25 =	simm.s32 $0x1B8E;
	s24 =	sld [smem:$0x3FFE];
	[sflag:s23] =	ssyncadd.s32 $0xFFFFFFFF  }
0xa5: {  	s26 =	simm.s32 $execute0_lowered;
	[smem:$0x3FD2] =	sst s25  }
0xa6: {  	s5 =	sshll.u32 s26, $0x1;
	_ =	strace $0x80000046;
	[dreg:$0x1] =	wrdreg $0xFFFFFFFF  }
0xa7: {  	s28 =	simm.s32 $_size_execute0_lowered;
	s3 =	sadd.s32 s3, s5;
	[dreg:$0x0] =	wrdreg $0x0  }
0xa8: {  	s5 =	sshll.u32 s28, $0x1;
	[dreg:$0x2] =	wrdreg s3  }
0xa9: {  	[dreg:$0x3] =	wrdreg s5  }
0xaa: {  	[dreg:$0x4] =	wrdreg $0xC0  }
0xab: {  	_ =	task [dreg:s7], $0x5FFFF  }
0xac: {  	[dreg:$0x1] =	wrdreg $0xFFFFFFFF  }
0xad: {  	[dreg:$0x0] =	wrdreg $0x60  }
0xae: {  	[dreg:$0x2] =	wrdreg s24  }
0xaf: {  	[dreg:$0x3] =	wrdreg s2  }
0xb0: {  	[dreg:$0x4] =	wrdreg $0x0  }
0xb1: {  	[dreg:$0x5] =	wrdreg $0x9  }
0xb2: {  	_ =	task.clear_ibuf [dreg:s7], $0x6FFFF;
	_ =	strace $0x90000046  }
0xb3: {  	s29 =	simm.s32 $0x9;
	_ =	strace $0x80000048  }
0xb4: {  	_ =	swait.ge [sflag:s29], $0x1  }
0xb5: {  	[sflag:s29] =	ssyncadd.s32 $0xFFFFFFFF  }
0xb6: {  	_ =	strace $0x90000048  }
0xb7: {  	_ =	sfence  }
0xb8: {  	s30 =	sld [smem:$0x0];
	_ =	sdelay $0x2  }
0xb9: {  	s31 =	sshll.u32 s1, $0xD;
	s1 =	sshrl.u32 s1, $0x2  }
0xba: {  	s3 =	sand.u32 $0x4000, s31;
	s1 =	sadd.s32 s1, s30  }
0xbb: {  	s0 =	sor.u32 s3, s0;
	s1 =	sshll.u32 s1, $0x11  }
0xbc: {  	s0 =	sor.u32 s1, s0  }
0xbd: {  	s0 =	sadd.s32 $0x8F2B, s0  }
0xbe: {  	[sflag:s0] =	ssyncadd.remote.s32 $0x1  }
0xbf: {  	_ =	sfence.sel $0xFFFF  }
0xc0: {  	[dreg:$0x0] =	wrdreg $0xFFFFFFFF;
	(pc) =	sbr.abs _section_cstart, $3  }
0xc1: {  	[dreg:$0x1] =	wrdreg $0xFFFFFFFF  }
0xc2: {  	_ =	task.clear_ibuf [dreg:s7], $0x2FFFF;
	_ =	strace $0x9FFFFFFF  }
0xc3: {  	(tm) =	ssettm $0x7FFFFFFF  }
tec
execute0_lowered:
.L_overlay_start_1:
0x0: {  	(tag) =	ssettag $0x1  }
0x1: {  	s6 =	rddreg [dreg:$0x0]  }
0x2: {  	s1 =	rddreg [dreg:$0x1]  }
0x3: {  	s2 =	rddreg [dreg:$0x2];
	s3 =	srdreg.scid  }
0x4: {  	s0 =	rddreg [dreg:$0x3];
	s4 =	simm.s32 $0x0;
	s7 =	sand.u32 $0x1, s3  }
0x5: {  	s19 =	simm.s32 $0x1;
	s3 =	stileid.u32;
	s8 =	smul.u32 $0x140000, s7  }
0x6: {  	s20 =	simm.s32 $0x2;
	s28 =	simm.s32 $0x0;
	s9 =	smul.u32 $0x14000, s3  }
0x7: {  	[smem:$0x7FF] =	sst s4;
	s14 =	sadd.s32 $0xC600, s6;
	s22 =	smul.u32 $0x50000, s3  }
0x8: {  	s5 =	sadd.s32 $0x16400, s6;
	_ =	strace $0x80000047;
	s12 =	smul.u32 $0x4E0, s7  }
0x9: {  	s21 =	sshll.u32 s7, $0x4;
	s23 =	ssub.s32 $0x2, s7;
	s16 =	smul.u32 $0x4E, s3  }
0xa: {  	s25 =	sor.u32 s3, s21;
	s11 =	sshrl.u32 s23, $0x1;
	s21 =	simm.s32 $0x14000  }
0xb: {  	s8 =	sadd.s32 s9, s8;
	s24 =	smul.u32 $0x4E, s25;
	s13 =	smin.u32 s25, $0x4  }
0xc: {  	s9 =	sshrl.u32 s22, $0x2;
	s11 =	ssub.s32 s23, s11;
	s16 =	sadd.s32 s16, s12  }
0xd: {  	s22 =	simm.s32 $0x14080;
	s23 =	simm.s32 $0x80;
	p0 =	sgt.u32 s25, $0x3  }
0xe: {  	s25 =	simm.s32 $0x4;
	s8 =	sshrl.u32 s8, $0x3;
	s17 =	sadd.s32 s9, s2  }
0xf: {  	s11 =	smax.u32 s11, $0x1;
	s10 =	sadd.s32 s8, s6;
	s8 =	sadd.s32 s13, s24  }
0x10: {  	s6 =	sshll.u32 s3, $0x6;
	s13 =	sadd.s32 s13, s16;
	s17 =	sshrl.u32 s17, $0x3  }
0x11: {  	s24 =	simm.s32 $0x3;
	s15 =	sshll.u32 s8, $0x4;
	s7 =	sor.u32 $0x1C01, s6  }
0x12: {  	s10 =	sadd.s32 $0x18C00, s10;
	s30 =	sshll.u32 s13, $0x4;
	s8 =	sadd.s32 s14, s15  }
0x13: {  	s18 =	sadd.s32 $0x10, s15;
	s26 =	sadd.s32 $0x20, s15;
	s15 =	sadd.s32 $0x4D0, s15  }
0x14: {  	s31 =	sadd.s32 s14, s30;
	s9 =	sadd.s32 $0x4E0, s8;
	s18 =	sand.u32 $0x1FFFFFF0, s18  }
0x15: {  	s29 =	sand.u32 $0x1FFFFFF0, s26;
	s15 =	sand.u32 $0x1FFFFFF0, s15;
	s16 =	sadd.s32 $0x30, s31  }
0x16: {  	s26 =	simm.s32 $0x5;
	s12 =	sadd.s32 s14, s18;
	s13 =	sadd.s32 s14, s29  }
0x17: {  	s14 =	sadd.s32 s14, s15;
	s15 =	sadd.s32 $0x40, s31;
	s18 =	simm.s32 $0x14100  }
.LBB2_1:
0x18: {  	[spmem:s17], [sflag:s7] =	dma.local [hbm:s5], $0x2800  }
0x19: {  	[tilespmem:s18], [sflag:$0x2] =	stream.linear.gather [hbm4b:s1+s4], $0x4000, $0x38;
	[tilespmem:$0x18100] =	vst v63  }
0x1a: {  	_ =	swait.ge [sflag:s19], $0x2800  }
0x1b: {  	[sflag:s19] =	ssyncset.done $0x0  }
0x1c: {  	[sflag:s19] =	ssyncadd.s32 $0xFFFFD800  }
0x1d: {  	_ =	swait.ge [sflag:s20], $0x4000  }
0x1e: {  	[sflag:s20] =	ssyncset.done $0x0  }
0x1f: {  	[sflag:s20] =	ssyncadd.s32 $0xFFFFC000  }
0x20: {  	[bflag:$0x0] =	sbarrier.arrive $0xFFFF  }
0x21: {  	[tilespmem:s21], [sflag:$0x1] =	stream.linear.gather [hbm4b:s8+s4], $0x80, $0x38;
	[tilespmem:$0x18100] =	vst v63  }
0x22: {  	_ = 	snop  }
0x23: {  	[tilespmem:s22], [sflag:$0x2] =	stream.linear.gather [hbm4b:s12+s4], $0x80, $0x38;
	[tilespmem:$0x18100] =	vst v63  }
0x24: {  	_ =	swait.ge [sflag:s19], $0x80  }
0x25: {  	[sflag:s19] =	ssyncset.done $0x0  }
0x26: {  	[sflag:s19] =	ssyncadd.s32 $0xFFFFFF80  }
0x27: {  	[spmem:s2] =	stream.indirect.scatter.add.f32 [tilespmem:s18], [sflag:$0x3], $0x80, s21, s23, $0xb8;
	[tilespmem:$0x18100] =	vst v63  }
0x28: {  	_ =	swait.ge [sflag:s24], $0x4000  }
0x29: {  	[sflag:s24] =	ssyncset.done $0x0  }
0x2a: {  	[sflag:s24] =	ssyncadd.s32 $0xFFFFC000  }
0x2b: {  	[tilespmem:s21], [sflag:$0x1] =	stream.linear.gather [hbm4b:s13+s4], $0x80, $0x38;
	[tilespmem:$0x18100] =	vst v63  }
0x2c: {  	_ =	swait.ge [sflag:s20], $0x80  }
0x2d: {  	[sflag:s20] =	ssyncset.done $0x0  }
0x2e: {  	[sflag:s20] =	ssyncadd.s32 $0xFFFFFF80  }
0x2f: {  	[spmem:s2] =	stream.indirect.scatter.add.f32 [tilespmem:s18], [sflag:$0x4], $0x80, s22, s23, $0xb8;
	[tilespmem:$0x18100] =	vst v63  }
0x30: {  	_ =	swait.ge [sflag:s25], $0x4000  }
0x31: {  	[sflag:s25] =	ssyncset.done $0x0  }
0x32: {  	s29 =	sadd.s32 $0x0, s16;
	[sflag:s25] =	ssyncadd.s32 $0xFFFFC000  }
0x33: {  	[tilespmem:s22], [sflag:$0x2] =	stream.linear.gather [hbm4b:s29+s4], $0x80, $0x38;
	[tilespmem:$0x18100] =	vst v63  }
0x34: {  	_ =	swait.ge [sflag:s19], $0x80  }
0x35: {  	[sflag:s19] =	ssyncset.done $0x0  }
0x36: {  	[sflag:s19] =	ssyncadd.s32 $0xFFFFFF80  }
0x37: {  	[spmem:s2] =	stream.indirect.scatter.add.f32 [tilespmem:s18], [sflag:$0x3], $0x80, s21, s23, $0xb8;
	[tilespmem:$0x18100] =	vst v63  }
0x38: {  	_ =	swait.ge [sflag:s24], $0x4000  }
0x39: {  	[sflag:s24] =	ssyncset.done $0x0  }
0x3a: {  	s29 =	sadd.s32 $0x0, s15;
	[sflag:s24] =	ssyncadd.s32 $0xFFFFC000  }
0x3b: {  	[tilespmem:s21], [sflag:$0x1] =	stream.linear.gather [hbm4b:s29+s4], $0x80, $0x38;
	[tilespmem:$0x18100] =	vst v63  }
0x3c: {  	_ =	swait.ge [sflag:s20], $0x80  }
0x3d: {  	[sflag:s20] =	ssyncset.done $0x0  }
0x3e: {  	s29 =	simm.s32 $0x20;
	[sflag:s20] =	ssyncadd.s32 $0xFFFFFF80  }
.LBB2_2:
0x3f: {  	[spmem:s2] =	stream.indirect.scatter.add.f32 [tilespmem:s18], [sflag:$0x4], $0x80, s22, s23, $0xb8;
	[tilespmem:$0x18100] =	vst v63  }
0x40: {  	s30 =	smov.u32 s29  }
0x41: {  	p1 =	sne.s32 s29, $0x480;
	s29 =	sadd.s32 $0x20, s29;
	_ =	swait.ge [sflag:s25], $0x4000  }
0x42: {  	[sflag:s25] =	ssyncset.done $0x0  }
0x43: {  	s31 =	sadd.s32 s30, s16;
	[sflag:s25] =	ssyncadd.s32 $0xFFFFC000  }
0x44: {  	[tilespmem:s22], [sflag:$0x2] =	stream.linear.gather [hbm4b:s31+s4], $0x80, $0x38;
	[tilespmem:$0x18100] =	vst v63  }
0x45: {  	_ =	swait.ge [sflag:s19], $0x80  }
0x46: {  	[sflag:s19] =	ssyncset.done $0x0  }
0x47: {  	[sflag:s19] =	ssyncadd.s32 $0xFFFFFF80  }
0x48: {  	[spmem:s2] =	stream.indirect.scatter.add.f32 [tilespmem:s18], [sflag:$0x3], $0x80, s21, s23, $0xb8;
	[tilespmem:$0x18100] =	vst v63  }
0x49: {  	_ =	swait.ge [sflag:s24], $0x4000  }
0x4a: {  	[sflag:s24] =	ssyncset.done $0x0  }
.Ltmp0:
0x4b: {  	s30 =	sadd.s32 s30, s15;
	[sflag:s24] =	ssyncadd.s32 $0xFFFFC000;
	(pc) =	sbr.rel @p1 .LBB2_2-.Ltmp0, $4  }
0x4c: {  	[tilespmem:s21], [sflag:$0x1] =	stream.linear.gather [hbm4b:s30+s4], $0x80, $0x38;
	[tilespmem:$0x18100] =	vst v63  }
0x4d: {  	_ =	swait.ge [sflag:s20], $0x80  }
0x4e: {  	[sflag:s20] =	ssyncset.done $0x0  }
0x4f: {  	[sflag:s20] =	ssyncadd.s32 $0xFFFFFF80  }
0x50: {  	[spmem:s2] =	stream.indirect.scatter.add.f32 [tilespmem:s18], [sflag:$0x4], $0x80, s22, s23, $0xb8;
	[tilespmem:$0x18100] =	vst v63  }
0x51: {  	_ =	swait.ge [sflag:s25], $0x4000  }
0x52: {  	[sflag:s25] =	ssyncset.done $0x0  }
0x53: {  	[sflag:s25] =	ssyncadd.s32 $0xFFFFC000  }
0x54: {  	[tilespmem:s22], [sflag:$0x2] =	stream.linear.gather [hbm4b:s14+s4], $0x80, $0x38;
	[tilespmem:$0x18100] =	vst v63  }
0x55: {  	_ =	swait.ge [sflag:s19], $0x80  }
0x56: {  	[sflag:s19] =	ssyncset.done $0x0  }
0x57: {  	[sflag:s19] =	ssyncadd.s32 $0xFFFFFF80  }
0x58: {  	[spmem:s2] =	stream.indirect.scatter.add.f32 [tilespmem:s18], [sflag:$0x3], $0x80, s21, s23, $0xb8;
	[tilespmem:$0x18100] =	vst v63  }
0x59: {  	_ =	swait.ge [sflag:s20], $0x80  }
0x5a: {  	[sflag:s20] =	ssyncset.done $0x0  }
0x5b: {  	[sflag:s20] =	ssyncadd.s32 $0xFFFFFF80  }
0x5c: {  	[spmem:s2] =	stream.indirect.scatter.add.f32 [tilespmem:s18], [sflag:$0x4], $0x80, s22, s23, $0xb8;
	[tilespmem:$0x18100] =	vst v63  }
0x5d: {  	_ =	swait.ge [sflag:s24], $0x4000  }
0x5e: {  	[sflag:s24] =	ssyncset.done $0x0  }
0x5f: {  	[sflag:s24] =	ssyncadd.s32 $0xFFFFC000  }
0x60: {  	_ =	swait.ge [sflag:s25], $0x4000  }
0x61: {  	[sflag:s25] =	ssyncset.done $0x0  }
0x62: {  	s29 =	simm.s32 @!p0 $0x0;
	s30 =	simm.s32 @!p0 $0x14000;
	[sflag:s25] =	ssyncadd.s32 $0xFFFFC000  }
0x63: {  	[tilespmem:s30], [sflag:$0x1] =	stream.linear.gather @!p0 [hbm4b:s9+s29], $0x80, $0x38;
	[tilespmem:$0x18100] =	vst v63  }
0x64: {  	s29 =	simm.s32 @!p0 $0x1  }
0x65: {  	_ =	swait.ge @!p0 [sflag:s29], $0x80  }
0x66: {  	[sflag:s29] =	ssyncset.done @!p0 $0x0  }
0x67: {  	s31 =	simm.s32 @!p0 $0x14100;
	[sflag:s29] =	ssyncadd.s32 @!p0 $0xFFFFFF80;
	s29 =	simm.s32 @!p0 $0x80  }
0x68: {  	[spmem:s2] =	stream.indirect.scatter.add.f32 @!p0 [tilespmem:s31], [sflag:$0x5], $0x80, s30, s29, $0xb8;
	[tilespmem:$0x18100] =	vst v63  }
0x69: {  	s29 =	simm.s32 @!p0 $0x5  }
0x6a: {  	_ =	swait.ge @!p0 [sflag:s29], $0x4000  }
0x6b: {  	s28 =	sadd.s32 $0x1, s28;
	[sflag:s29] =	ssyncset.done @!p0 $0x0  }
0x6c: {  	p1 =	sne.s32 s28, s11;
	[sflag:s29] =	ssyncadd.s32 @!p0 $0xFFFFC000  }
.Ltmp1:
0x6d: {  	s31 =	sor.u32 $0x1C05, s6;
	[bflag:$0x0] =	sbarrier.arrive $0xFFFF;
	(pc) =	sbr.rel @p1 .LBB2_1-.Ltmp1, $4  }
0x6e: {  	[hbm:s10], [sflag:s31] =	dma.local [spmem:s17], $0x2800  }
0x6f: {  	_ =	swait.ge [sflag:s26], $0x2800  }
0x70: {  	[sflag:s26] =	ssyncset.done $0x0  }
0x71: {  	[sflag:s26] =	ssyncadd.s32 $0xFFFFD800  }
0x72: {  	_ =	sfence.sel $0x180000  }
0x73: {  	[bflag:$0x0] =	sbarrier.arrive $0xFFFF  }
0x74: {  	p0 =	sne.s32 s3, $0x0;
	_ =	strace $0x90000047  }
0x75: {  	s0 =	sadd.s32 @!p0 $0x100000, s0;
	[bflag:$0x2] =	sbarrier.arrive $0xFFFF  }
0x76: {  	[sflag:s0] =	ssyncadd.tile.s32 @!p0 $0x1;
	_ =	shalt  }
.Lfunc_end2:
_tile_overlayer_lowered:
.L_overlay_start_2:
0x77: {  	(tag) =	ssettag $0x2  }
0x78: {  	s0 =	rddreg [dreg:$0x0];
	s2 =	stileid.u32  }
0x79: {  	s1 =	rddreg [dreg:$0x1];
	p0 =	sne.s32 s2, $0x0  }
0x7a: {  	s3 =	rddreg [dreg:$0x2];
	[bflag:$0x3] =	sbarrier.arrive $0xFFFF;
	s2 =	simm.s32 @!p0 $0x1C05  }
0x7b: {  	[timem:s3], [sflag:s2] =	dma.local @!p0 [hbm:s0], s1  }
0x7c: {  	s0 =	simm.s32 @!p0 $0x5  }
0x7d: {  	_ =	swait.ge @!p0 [sflag:s0], s1  }
0x7e: {  	s1 =	ssub.s32 @!p0 $0x0, s1;
	[sflag:s0] =	ssyncset.done @!p0 $0x0  }
0x7f: {  	[sflag:s0] =	ssyncadd.s32 @!p0 s1  }
0x80: {  	[bflag:$0x3] =	sbarrier.arrive $0xFFFF  }
0x81: {  	_ =	shalt  }

</sc_bundles>
